<compile_context>
chip_gen: v7x
topology: tpu7x:2x2x1
jax: 0.10.2.dev20260603
libtpu: 0.0.44.dev20260713+nightly
codegen_flags: <defaults>
</compile_context>

<pallas_src>
import functools

import jax
import jax.numpy as jnp
from jax import lax
from jax.experimental import pallas as pl
from jax.experimental.pallas import tpu as pltpu
from jax.experimental.pallas import tpu_sc as plsc

_N = 100000
_D = 128
_NUM_CLASSES = 1000
_C = 160
_G = 160
_NCHUNKS = _N // _C
_NW = 32
_NB = 5
_L = 16
_NGROUPS = (_NCHUNKS // _NW + _NB) // _NB
_TROWS = 2048

_mesh = plsc.VectorSubcoreMesh(core_axis_name="c", subcore_axis_name="s")


@functools.partial(
    pl.kernel,
    mesh=_mesh,
    out_type=jax.ShapeDtypeStruct((_N, _D), jnp.float32),
    scratch_types=[
        pltpu.VMEM((_NB * _C,), jnp.int32),
        pltpu.VMEM((_NB * _C,), jnp.int32),
        pltpu.VMEM((_NB * _C,), jnp.int32),
        pltpu.VMEM((_NB, _C, _D), jnp.float32),
        pltpu.VMEM_SHARED((_TROWS, _D), jnp.float32),
        pltpu.SemaphoreType.DMA((_NB,)),
        pltpu.SemaphoreType.DMA((_NB,)),
        pltpu.SemaphoreType.DMA((_NB,)),
        pltpu.SemaphoreType.DMA((_NB,)),
    ],
)
def _mask_label_sc(x_hbm, y_hbm, m_hbm, tab_hbm, out_hbm,
                   y_v, m_v, idx_v, x_v, tab_sh,
                   sem_x, sem_ym, sem_g, sem_out):
    sid = lax.axis_index("s")
    wid = sid * 2 + lax.axis_index("c")
    nch = (_NCHUNKS - wid + _NW - 1) // _NW

    def chunk_base(c):
        return (wid + c * _NW) * _C

    def fire_in(c, b):
        base = chunk_base(c)
        pltpu.async_copy(x_hbm.at[pl.ds(base, _C)], x_v.at[b], sem_x.at[b])
        pltpu.async_copy(y_hbm.at[pl.ds(base, _C)],
                         y_v.at[pl.ds(b * _C, _C)], sem_ym.at[b])
        pltpu.async_copy(m_hbm.at[pl.ds(base, _C)],
                         m_v.at[pl.ds(b * _C, _C)], sem_ym.at[b])

    def wait_out(b):
        pltpu.make_async_copy(
            x_v.at[b], out_hbm.at[pl.ds(0, _C)], sem_out.at[b]).wait()

    def mid(c, b):
        pltpu.make_async_copy(
            y_hbm.at[pl.ds(0, _C)], y_v.at[pl.ds(b * _C, _C)],
            sem_ym.at[b]).wait()
        pltpu.make_async_copy(
            m_hbm.at[pl.ds(0, _C)], m_v.at[pl.ds(b * _C, _C)],
            sem_ym.at[b]).wait()

        def sel_body(g, c2):
            s = pl.ds(b * _C + g * _L, _L)
            yv = y_v[s]
            idx_v[s] = jnp.where(m_v[s] != 0, yv, yv + _NUM_CLASSES)
            return c2

        lax.fori_loop(0, _C // _L, sel_body, 0)

        pltpu.make_async_copy(
            x_hbm.at[pl.ds(0, _C)], x_v.at[b], sem_x.at[b]).wait()
        for j in range(_C // _G):
            pltpu.async_copy(
                tab_sh.at[idx_v.at[pl.ds(b * _C + j * _G, _G)]],
                x_v.at[b].at[pl.ds(j * _G, _G)], sem_g.at[b], add=True)

    def finish(c, b):
        base = chunk_base(c)
        for j in range(_C // _G):
            pltpu.make_async_copy(
                tab_sh.at[idx_v.at[pl.ds(b * _C + j * _G, _G)]],
                x_v.at[b].at[pl.ds(j * _G, _G)], sem_g.at[b]).wait()
        pltpu.async_copy(x_v.at[b], out_hbm.at[pl.ds(base, _C)],
                         sem_out.at[b])

    for b in range(_NB):
        fire_in(b, b)

    _TR = _TROWS // 16
    pltpu.sync_copy(tab_hbm.at[pl.ds(sid * _TR, _TR)],
                    tab_sh.at[pl.ds(sid * _TR, _TR)])
    plsc.subcore_barrier()

    def group_body(k4, carry):
        c0 = k4 * _NB
        for b in range(_NB):
            c = c0 + b

            @pl.when(c < nch)
            def _():
                mid(c, b)
        for b in range(_NB):
            c = c0 + b

            @pl.when(c < nch)
            def _():
                finish(c, b)
        for b in range(_NB):
            c = c0 + b + _NB

            @pl.when(c < nch)
            def _():
                wait_out(b)
                fire_in(c, b)
        return carry

    lax.fori_loop(0, _NGROUPS, group_body, 0)

    for b in range(_NB):
        wait_out(b)


def kernel(x, y, mask, emb_weight):
    table = jnp.concatenate(
        [emb_weight, jnp.zeros((_TROWS - _NUM_CLASSES, _D), jnp.float32)],
        axis=0)
    return _mask_label_sc(x, y, mask.astype(jnp.int32), table)

# --- scband reference (transcript-rebuilt; emitter-appended) ---
"""Pipeline reference for scband-mask-label-13305808683031 (READ-ONLY COPY).

The authoritative reference and input builder live on the scoring server;
editing this copy changes nothing except your own understanding.
"""

import jax, jax.numpy as jnp
import numpy as np

NUM_NODES = 100000
D = 128
NUM_CLASSES = 1000


def setup_inputs(seed: int = 0) -> dict:
    key = jax.random.key(seed)
    k1, k2, k3, k4 = jax.random.split(key, 4)
    x = jax.random.normal(k1, (NUM_NODES, D), dtype=jnp.float32)
    y = jax.random.randint(k2, (NUM_NODES,), 0, NUM_CLASSES, dtype=jnp.int32)
    mask = jax.random.randint(k3, (NUM_NODES,), 0, 2, dtype=jnp.int32).astype(jnp.bool_)
    emb_weight = jax.random.normal(k4, (NUM_CLASSES, D), dtype=jnp.float32)
    return {"x": x, "y": y, "mask": mask, "emb_weight": emb_weight}


def reference(x, y, mask, emb_weight):
    # method == 'add': x = clone(x); x[mask] += emb(y[mask])
    # Equivalent dense form: gather label embeddings for all nodes,
    # zero out the unmasked rows, and add to x.
    emb = jnp.take(emb_weight, y, axis=0)  # [N, D] embedding lookup
    upd = jnp.where(mask[:, None], emb, jnp.zeros_like(emb))
    return x + upd

if __name__ == "__main__":
    import jax
    _d = setup_inputs()
    print(jax.jit(kernel)(*tuple(_d.values())))

</pallas_src>

<mosaic_0001>
#map = affine_map<(d0, d1) -> (0, 0)>
#map1 = affine_map<(d0, d1) -> (0)>
module attributes {stable_mosaic.version = 14 : i64} {
  func.func @_mask_label_sc(%arg0: i32, %arg1: i32, %arg2: memref<100000x128xf32, #tpu.memory_space<hbm>>, %arg3: memref<100000xi32, #tpu.memory_space<hbm>>, %arg4: memref<100000xi32, #tpu.memory_space<hbm>>, %arg5: memref<2048x128xf32, #tpu.memory_space<hbm>>, %arg6: memref<100000x128xf32, #tpu.memory_space<hbm>>, %arg7: memref<800xi32, #tpu.memory_space<vmem>>, %arg8: memref<800xi32, #tpu.memory_space<vmem>>, %arg9: memref<800xi32, #tpu.memory_space<vmem>>, %arg10: memref<5x160x128xf32, #tpu.memory_space<vmem>>, %arg11: memref<2048x128xf32, #tpu.memory_space<vmem_shared>>, %arg12: memref<5x!tpu.dma_semaphore, #tpu.memory_space<semaphore_mem>>, %arg13: memref<5x!tpu.dma_semaphore, #tpu.memory_space<semaphore_mem>>, %arg14: memref<5x!tpu.dma_semaphore, #tpu.memory_space<semaphore_mem>>, %arg15: memref<5x!tpu.dma_semaphore, #tpu.memory_space<semaphore_mem>>) attributes {dimension_semantics = [#tpu.dimension_semantics<core_parallel>, #tpu.dimension_semantics<subcore_parallel>], iteration_bounds = array<i64: 2, 16>, scalar_prefetch = 0 : i64, scratch_operands = 9 : i64, tpu.core_type = #tpu.core_type<sc_vector_subcore>, window_params = [{transform_indices = #map}, {transform_indices = #map1}, {transform_indices = #map1}, {transform_indices = #map}, {transform_indices = #map}]} {
    %mul3A = arith.constant 2 : i32
    %mul3A_0 = arith.muli %arg1, %mul3A : i32
    %add3A = arith.addi %mul3A_0, %arg0 : i32
    %sub3A = arith.constant 625 : i32
    %sub3A_1 = arith.subi %sub3A, %add3A : i32
    %add3A_2 = arith.constant 32 : i32
    %add3A_3 = arith.addi %sub3A_1, %add3A_2 : i32
    %sub3A_4 = arith.constant 1 : i32
    %sub3A_5 = arith.subi %add3A_3, %sub3A_4 : i32
    %jit3A = arith.constant 32 : i32
    %div3A = arith.divsi %sub3A_5, %jit3A : i32
    %sign3A = arith.constant 0 : i32
    %sign3A_6 = arith.cmpi sgt, %sub3A_5, %sign3A : i32
    %sign3A_7 = arith.extui %sign3A_6 : i1 to i32
    %sign3A_8 = arith.constant 0 : i32
    %sign3A_9 = arith.cmpi slt, %sub3A_5, %sign3A_8 : i32
    %sign3A_10 = arith.extui %sign3A_9 : i1 to i32
    %sign3A_11 = arith.subi %sign3A_7, %sign3A_10 : i32
    %sign3A_12 = arith.constant 0 : i32
    %sign3A_13 = arith.cmpi sgt, %jit3A, %sign3A_12 : i32
    %sign3A_14 = arith.extui %sign3A_13 : i1 to i32
    %sign3A_15 = arith.constant 0 : i32
    %sign3A_16 = arith.cmpi slt, %jit3A, %sign3A_15 : i32
    %sign3A_17 = arith.extui %sign3A_16 : i1 to i32
    %sign3A_18 = arith.subi %sign3A_14, %sign3A_17 : i32
    %ne3A = arith.cmpi ne, %sign3A_11, %sign3A_18 : i32
    %rem3A = arith.remsi %sub3A_5, %jit3A : i32
    %ne3A_19 = arith.constant 0 : i32
    %ne3A_20 = arith.cmpi ne, %rem3A, %ne3A_19 : i32
    %and3A = arith.andi %ne3A, %ne3A_20 : i1
    %sub3A_21 = arith.constant 1 : i32
    %sub3A_22 = arith.subi %div3A, %sub3A_21 : i32
    %select_n3A = arith.select %and3A, %sub3A_22, %div3A : i32
    %add3A_23 = arith.constant 0 : i32
    %add3A_24 = arith.addi %add3A, %add3A_23 : i32
    %mul3A_25 = arith.constant 160 : i32
    %mul3A_26 = arith.muli %add3A_24, %mul3A_25 : i32
    %dma_start3A = arith.constant 0 : i32
    %dma_start3A_27 = arith.constant 0 : i32
    %dma_start3A_28 = arith.constant 0 : i32
    %dma_start3A_29 = arith.constant 0 : i32
    %dma_start3A_30 = tpu.memref_slice %arg10[%dma_start3A, %dma_start3A_28, %dma_start3A_29] : memref<5x160x128xf32, #tpu.memory_space<vmem>> -> memref<1x160x128xf32, #tpu.memory_space<vmem>>
    %dma_start3A_31 = tpu.memref_squeeze %dma_start3A_30 : memref<1x160x128xf32, #tpu.memory_space<vmem>> -> memref<160x128xf32, #tpu.memory_space<vmem>>
    %dma_start3A_32 = arith.constant 0 : i32
    %dma_start3A_33 = tpu.memref_slice %arg2[%mul3A_26, %dma_start3A_32] : memref<100000x128xf32, #tpu.memory_space<hbm>> -> memref<160x128xf32, #tpu.memory_space<hbm>>
    %dma_start3A_34 = tpu.memref_slice %arg12[%dma_start3A_27] : memref<5x!tpu.dma_semaphore, #tpu.memory_space<semaphore_mem>> -> memref<1x!tpu.dma_semaphore, #tpu.memory_space<semaphore_mem>>
    %dma_start3A_35 = tpu.memref_squeeze %dma_start3A_34 : memref<1x!tpu.dma_semaphore, #tpu.memory_space<semaphore_mem>> -> memref<!tpu.dma_semaphore, #tpu.memory_space<semaphore_mem>>
    %dma_start3A_36 = arith.constant 0 : i32
    %dma_start3A_37 = arith.constant 0 : i32
    %dma_start3A_38 = tpu.memref_slice %arg10[%dma_start3A, %dma_start3A_36, %dma_start3A_37] : memref<5x160x128xf32, #tpu.memory_space<vmem>> -> memref<1x160x128xf32, #tpu.memory_space<vmem>>
    %dma_start3A_39 = tpu.memref_squeeze %dma_start3A_38 : memref<1x160x128xf32, #tpu.memory_space<vmem>> -> memref<160x128xf32, #tpu.memory_space<vmem>>
    %dma_start3A_40 = arith.constant 0 : i32
    %dma_start3A_41 = tpu.memref_slice %arg2[%mul3A_26, %dma_start3A_40] : memref<100000x128xf32, #tpu.memory_space<hbm>> -> memref<160x128xf32, #tpu.memory_space<hbm>>
    tpu.enqueue_dma source(%dma_start3A_41 : memref<160x128xf32, #tpu.memory_space<hbm>>) target(%dma_start3A_39 : memref<160x128xf32, #tpu.memory_space<vmem>>) target_semaphore(%dma_start3A_35 : memref<!tpu.dma_semaphore, #tpu.memory_space<semaphore_mem>>)
    %dma_start3A_42 = arith.constant 0 : i32
    %dma_start3A_43 = arith.constant 0 : i32
    %dma_start3A_44 = tpu.memref_slice %arg7[%dma_start3A_43] : memref<800xi32, #tpu.memory_space<vmem>> -> memref<160xi32, #tpu.memory_space<vmem>>
    %dma_start3A_45 = tpu.memref_slice %arg3[%mul3A_26] : memref<100000xi32, #tpu.memory_space<hbm>> -> memref<160xi32, #tpu.memory_space<hbm>>
    %dma_start3A_46 = tpu.memref_slice %arg13[%dma_start3A_42] : memref<5x!tpu.dma_semaphore, #tpu.memory_space<semaphore_mem>> -> memref<1x!tpu.dma_semaphore, #tpu.memory_space<semaphore_mem>>
    %dma_start3A_47 = tpu.memref_squeeze %dma_start3A_46 : memref<1x!tpu.dma_semaphore, #tpu.memory_space<semaphore_mem>> -> memref<!tpu.dma_semaphore, #tpu.memory_space<semaphore_mem>>
    %dma_start3A_48 = arith.constant 0 : i32
    %dma_start3A_49 = tpu.memref_slice %arg7[%dma_start3A_48] : memref<800xi32, #tpu.memory_space<vmem>> -> memref<160xi32, #tpu.memory_space<vmem>>
    %dma_start3A_50 = tpu.memref_slice %arg3[%mul3A_26] : memref<100000xi32, #tpu.memory_space<hbm>> -> memref<160xi32, #tpu.memory_space<hbm>>
    tpu.enqueue_dma source(%dma_start3A_50 : memref<160xi32, #tpu.memory_space<hbm>>) target(%dma_start3A_49 : memref<160xi32, #tpu.memory_space<vmem>>) target_semaphore(%dma_start3A_47 : memref<!tpu.dma_semaphore, #tpu.memory_space<semaphore_mem>>)
    %dma_start3A_51 = arith.constant 0 : i32
    %dma_start3A_52 = arith.constant 0 : i32
    %dma_start3A_53 = tpu.memref_slice %arg8[%dma_start3A_52] : memref<800xi32, #tpu.memory_space<vmem>> -> memref<160xi32, #tpu.memory_space<vmem>>
    %dma_start3A_54 = tpu.memref_slice %arg4[%mul3A_26] : memref<100000xi32, #tpu.memory_space<hbm>> -> memref<160xi32, #tpu.memory_space<hbm>>
    %dma_start3A_55 = tpu.memref_slice %arg13[%dma_start3A_51] : memref<5x!tpu.dma_semaphore, #tpu.memory_space<semaphore_mem>> -> memref<1x!tpu.dma_semaphore, #tpu.memory_space<semaphore_mem>>
    %dma_start3A_56 = tpu.memref_squeeze %dma_start3A_55 : memref<1x!tpu.dma_semaphore, #tpu.memory_space<semaphore_mem>> -> memref<!tpu.dma_semaphore, #tpu.memory_space<semaphore_mem>>
    %dma_start3A_57 = arith.constant 0 : i32
    %dma_start3A_58 = tpu.memref_slice %arg8[%dma_start3A_57] : memref<800xi32, #tpu.memory_space<vmem>> -> memref<160xi32, #tpu.memory_space<vmem>>
    %dma_start3A_59 = tpu.memref_slice %arg4[%mul3A_26] : memref<100000xi32, #tpu.memory_space<hbm>> -> memref<160xi32, #tpu.memory_space<hbm>>
    tpu.enqueue_dma source(%dma_start3A_59 : memref<160xi32, #tpu.memory_space<hbm>>) target(%dma_start3A_58 : memref<160xi32, #tpu.memory_space<vmem>>) target_semaphore(%dma_start3A_56 : memref<!tpu.dma_semaphore, #tpu.memory_space<semaphore_mem>>)
    %add3A_60 = arith.constant 32 : i32
    %add3A_61 = arith.addi %add3A, %add3A_60 : i32
    %mul3A_62 = arith.constant 160 : i32
    %mul3A_63 = arith.muli %add3A_61, %mul3A_62 : i32
    %dma_start3A_64 = arith.constant 1 : i32
    %dma_start3A_65 = arith.constant 1 : i32
    %dma_start3A_66 = arith.constant 0 : i32
    %dma_start3A_67 = arith.constant 0 : i32
    %dma_start3A_68 = tpu.memref_slice %arg10[%dma_start3A_64, %dma_start3A_66, %dma_start3A_67] : memref<5x160x128xf32, #tpu.memory_space<vmem>> -> memref<1x160x128xf32, #tpu.memory_space<vmem>>
    %dma_start3A_69 = tpu.memref_squeeze %dma_start3A_68 : memref<1x160x128xf32, #tpu.memory_space<vmem>> -> memref<160x128xf32, #tpu.memory_space<vmem>>
    %dma_start3A_70 = arith.constant 0 : i32
    %dma_start3A_71 = tpu.memref_slice %arg2[%mul3A_63, %dma_start3A_70] : memref<100000x128xf32, #tpu.memory_space<hbm>> -> memref<160x128xf32, #tpu.memory_space<hbm>>
    %dma_start3A_72 = tpu.memref_slice %arg12[%dma_start3A_65] : memref<5x!tpu.dma_semaphore, #tpu.memory_space<semaphore_mem>> -> memref<1x!tpu.dma_semaphore, #tpu.memory_space<semaphore_mem>>
    %dma_start3A_73 = tpu.memref_squeeze %dma_start3A_72 : memref<1x!tpu.dma_semaphore, #tpu.memory_space<semaphore_mem>> -> memref<!tpu.dma_semaphore, #tpu.memory_space<semaphore_mem>>
    %dma_start3A_74 = arith.constant 0 : i32
    %dma_start3A_75 = arith.constant 0 : i32
    %dma_start3A_76 = tpu.memref_slice %arg10[%dma_start3A_64, %dma_start3A_74, %dma_start3A_75] : memref<5x160x128xf32, #tpu.memory_space<vmem>> -> memref<1x160x128xf32, #tpu.memory_space<vmem>>
    %dma_start3A_77 = tpu.memref_squeeze %dma_start3A_76 : memref<1x160x128xf32, #tpu.memory_space<vmem>> -> memref<160x128xf32, #tpu.memory_space<vmem>>
    %dma_start3A_78 = arith.constant 0 : i32
    %dma_start3A_79 = tpu.memref_slice %arg2[%mul3A_63, %dma_start3A_78] : memref<100000x128xf32, #tpu.memory_space<hbm>> -> memref<160x128xf32, #tpu.memory_space<hbm>>
    tpu.enqueue_dma source(%dma_start3A_79 : memref<160x128xf32, #tpu.memory_space<hbm>>) target(%dma_start3A_77 : memref<160x128xf32, #tpu.memory_space<vmem>>) target_semaphore(%dma_start3A_73 : memref<!tpu.dma_semaphore, #tpu.memory_space<semaphore_mem>>)
    %dma_start3A_80 = arith.constant 1 : i32
    %dma_start3A_81 = arith.constant 160 : i32
    %dma_start3A_82 = tpu.memref_slice %arg7[%dma_start3A_81] : memref<800xi32, #tpu.memory_space<vmem>> -> memref<160xi32, #tpu.memory_space<vmem>>
    %dma_start3A_83 = tpu.memref_slice %arg3[%mul3A_63] : memref<100000xi32, #tpu.memory_space<hbm>> -> memref<160xi32, #tpu.memory_space<hbm>>
    %dma_start3A_84 = tpu.memref_slice %arg13[%dma_start3A_80] : memref<5x!tpu.dma_semaphore, #tpu.memory_space<semaphore_mem>> -> memref<1x!tpu.dma_semaphore, #tpu.memory_space<semaphore_mem>>
    %dma_start3A_85 = tpu.memref_squeeze %dma_start3A_84 : memref<1x!tpu.dma_semaphore, #tpu.memory_space<semaphore_mem>> -> memref<!tpu.dma_semaphore, #tpu.memory_space<semaphore_mem>>
    %dma_start3A_86 = arith.constant 160 : i32
    %dma_start3A_87 = tpu.memref_slice %arg7[%dma_start3A_86] : memref<800xi32, #tpu.memory_space<vmem>> -> memref<160xi32, #tpu.memory_space<vmem>>
    %dma_start3A_88 = tpu.memref_slice %arg3[%mul3A_63] : memref<100000xi32, #tpu.memory_space<hbm>> -> memref<160xi32, #tpu.memory_space<hbm>>
    tpu.enqueue_dma source(%dma_start3A_88 : memref<160xi32, #tpu.memory_space<hbm>>) target(%dma_start3A_87 : memref<160xi32, #tpu.memory_space<vmem>>) target_semaphore(%dma_start3A_85 : memref<!tpu.dma_semaphore, #tpu.memory_space<semaphore_mem>>)
    %dma_start3A_89 = arith.constant 1 : i32
    %dma_start3A_90 = arith.constant 160 : i32
    %dma_start3A_91 = tpu.memref_slice %arg8[%dma_start3A_90] : memref<800xi32, #tpu.memory_space<vmem>> -> memref<160xi32, #tpu.memory_space<vmem>>
    %dma_start3A_92 = tpu.memref_slice %arg4[%mul3A_63] : memref<100000xi32, #tpu.memory_space<hbm>> -> memref<160xi32, #tpu.memory_space<hbm>>
    %dma_start3A_93 = tpu.memref_slice %arg13[%dma_start3A_89] : memref<5x!tpu.dma_semaphore, #tpu.memory_space<semaphore_mem>> -> memref<1x!tpu.dma_semaphore, #tpu.memory_space<semaphore_mem>>
    %dma_start3A_94 = tpu.memref_squeeze %dma_start3A_93 : memref<1x!tpu.dma_semaphore, #tpu.memory_space<semaphore_mem>> -> memref<!tpu.dma_semaphore, #tpu.memory_space<semaphore_mem>>
    %dma_start3A_95 = arith.constant 160 : i32
    %dma_start3A_96 = tpu.memref_slice %arg8[%dma_start3A_95] : memref<800xi32, #tpu.memory_space<vmem>> -> memref<160xi32, #tpu.memory_space<vmem>>
    %dma_start3A_97 = tpu.memref_slice %arg4[%mul3A_63] : memref<100000xi32, #tpu.memory_space<hbm>> -> memref<160xi32, #tpu.memory_space<hbm>>
    tpu.enqueue_dma source(%dma_start3A_97 : memref<160xi32, #tpu.memory_space<hbm>>) target(%dma_start3A_96 : memref<160xi32, #tpu.memory_space<vmem>>) target_semaphore(%dma_start3A_94 : memref<!tpu.dma_semaphore, #tpu.memory_space<semaphore_mem>>)
    %add3A_98 = arith.constant 64 : i32
    %add3A_99 = arith.addi %add3A, %add3A_98 : i32
    %mul3A_100 = arith.constant 160 : i32
    %mul3A_101 = arith.muli %add3A_99, %mul3A_100 : i32
    %dma_start3A_102 = arith.constant 2 : i32
    %dma_start3A_103 = arith.constant 2 : i32
    %dma_start3A_104 = arith.constant 0 : i32
    %dma_start3A_105 = arith.constant 0 : i32
    %dma_start3A_106 = tpu.memref_slice %arg10[%dma_start3A_102, %dma_start3A_104, %dma_start3A_105] : memref<5x160x128xf32, #tpu.memory_space<vmem>> -> memref<1x160x128xf32, #tpu.memory_space<vmem>>
    %dma_start3A_107 = tpu.memref_squeeze %dma_start3A_106 : memref<1x160x128xf32, #tpu.memory_space<vmem>> -> memref<160x128xf32, #tpu.memory_space<vmem>>
    %dma_start3A_108 = arith.constant 0 : i32
    %dma_start3A_109 = tpu.memref_slice %arg2[%mul3A_101, %dma_start3A_108] : memref<100000x128xf32, #tpu.memory_space<hbm>> -> memref<160x128xf32, #tpu.memory_space<hbm>>
    %dma_start3A_110 = tpu.memref_slice %arg12[%dma_start3A_103] : memref<5x!tpu.dma_semaphore, #tpu.memory_space<semaphore_mem>> -> memref<1x!tpu.dma_semaphore, #tpu.memory_space<semaphore_mem>>
    %dma_start3A_111 = tpu.memref_squeeze %dma_start3A_110 : memref<1x!tpu.dma_semaphore, #tpu.memory_space<semaphore_mem>> -> memref<!tpu.dma_semaphore, #tpu.memory_space<semaphore_mem>>
    %dma_start3A_112 = arith.constant 0 : i32
    %dma_start3A_113 = arith.constant 0 : i32
    %dma_start3A_114 = tpu.memref_slice %arg10[%dma_start3A_102, %dma_start3A_112, %dma_start3A_113] : memref<5x160x128xf32, #tpu.memory_space<vmem>> -> memref<1x160x128xf32, #tpu.memory_space<vmem>>
    %dma_start3A_115 = tpu.memref_squeeze %dma_start3A_114 : memref<1x160x128xf32, #tpu.memory_space<vmem>> -> memref<160x128xf32, #tpu.memory_space<vmem>>
    %dma_start3A_116 = arith.constant 0 : i32
    %dma_start3A_117 = tpu.memref_slice %arg2[%mul3A_101, %dma_start3A_116] : memref<100000x128xf32, #tpu.memory_space<hbm>> -> memref<160x128xf32, #tpu.memory_space<hbm>>
    tpu.enqueue_dma source(%dma_start3A_117 : memref<160x128xf32, #tpu.memory_space<hbm>>) target(%dma_start3A_115 : memref<160x128xf32, #tpu.memory_space<vmem>>) target_semaphore(%dma_start3A_111 : memref<!tpu.dma_semaphore, #tpu.memory_space<semaphore_mem>>)
    %dma_start3A_118 = arith.constant 2 : i32
    %dma_start3A_119 = arith.constant 320 : i32
    %dma_start3A_120 = tpu.memref_slice %arg7[%dma_start3A_119] : memref<800xi32, #tpu.memory_space<vmem>> -> memref<160xi32, #tpu.memory_space<vmem>>
    %dma_start3A_121 = tpu.memref_slice %arg3[%mul3A_101] : memref<100000xi32, #tpu.memory_space<hbm>> -> memref<160xi32, #tpu.memory_space<hbm>>
    %dma_start3A_122 = tpu.memref_slice %arg13[%dma_start3A_118] : memref<5x!tpu.dma_semaphore, #tpu.memory_space<semaphore_mem>> -> memref<1x!tpu.dma_semaphore, #tpu.memory_space<semaphore_mem>>
    %dma_start3A_123 = tpu.memref_squeeze %dma_start3A_122 : memref<1x!tpu.dma_semaphore, #tpu.memory_space<semaphore_mem>> -> memref<!tpu.dma_semaphore, #tpu.memory_space<semaphore_mem>>
    %dma_start3A_124 = arith.constant 320 : i32
    %dma_start3A_125 = tpu.memref_slice %arg7[%dma_start3A_124] : memref<800xi32, #tpu.memory_space<vmem>> -> memref<160xi32, #tpu.memory_space<vmem>>
    %dma_start3A_126 = tpu.memref_slice %arg3[%mul3A_101] : memref<100000xi32, #tpu.memory_space<hbm>> -> memref<160xi32, #tpu.memory_space<hbm>>
    tpu.enqueue_dma source(%dma_start3A_126 : memref<160xi32, #tpu.memory_space<hbm>>) target(%dma_start3A_125 : memref<160xi32, #tpu.memory_space<vmem>>) target_semaphore(%dma_start3A_123 : memref<!tpu.dma_semaphore, #tpu.memory_space<semaphore_mem>>)
    %dma_start3A_127 = arith.constant 2 : i32
    %dma_start3A_128 = arith.constant 320 : i32
    %dma_start3A_129 = tpu.memref_slice %arg8[%dma_start3A_128] : memref<800xi32, #tpu.memory_space<vmem>> -> memref<160xi32, #tpu.memory_space<vmem>>
    %dma_start3A_130 = tpu.memref_slice %arg4[%mul3A_101] : memref<100000xi32, #tpu.memory_space<hbm>> -> memref<160xi32, #tpu.memory_space<hbm>>
    %dma_start3A_131 = tpu.memref_slice %arg13[%dma_start3A_127] : memref<5x!tpu.dma_semaphore, #tpu.memory_space<semaphore_mem>> -> memref<1x!tpu.dma_semaphore, #tpu.memory_space<semaphore_mem>>
    %dma_start3A_132 = tpu.memref_squeeze %dma_start3A_131 : memref<1x!tpu.dma_semaphore, #tpu.memory_space<semaphore_mem>> -> memref<!tpu.dma_semaphore, #tpu.memory_space<semaphore_mem>>
    %dma_start3A_133 = arith.constant 320 : i32
    %dma_start3A_134 = tpu.memref_slice %arg8[%dma_start3A_133] : memref<800xi32, #tpu.memory_space<vmem>> -> memref<160xi32, #tpu.memory_space<vmem>>
    %dma_start3A_135 = tpu.memref_slice %arg4[%mul3A_101] : memref<100000xi32, #tpu.memory_space<hbm>> -> memref<160xi32, #tpu.memory_space<hbm>>
    tpu.enqueue_dma source(%dma_start3A_135 : memref<160xi32, #tpu.memory_space<hbm>>) target(%dma_start3A_134 : memref<160xi32, #tpu.memory_space<vmem>>) target_semaphore(%dma_start3A_132 : memref<!tpu.dma_semaphore, #tpu.memory_space<semaphore_mem>>)
    %add3A_136 = arith.constant 96 : i32
    %add3A_137 = arith.addi %add3A, %add3A_136 : i32
    %mul3A_138 = arith.constant 160 : i32
    %mul3A_139 = arith.muli %add3A_137, %mul3A_138 : i32
    %dma_start3A_140 = arith.constant 3 : i32
    %dma_start3A_141 = arith.constant 3 : i32
    %dma_start3A_142 = arith.constant 0 : i32
    %dma_start3A_143 = arith.constant 0 : i32
    %dma_start3A_144 = tpu.memref_slice %arg10[%dma_start3A_140, %dma_start3A_142, %dma_start3A_143] : memref<5x160x128xf32, #tpu.memory_space<vmem>> -> memref<1x160x128xf32, #tpu.memory_space<vmem>>
    %dma_start3A_145 = tpu.memref_squeeze %dma_start3A_144 : memref<1x160x128xf32, #tpu.memory_space<vmem>> -> memref<160x128xf32, #tpu.memory_space<vmem>>
    %dma_start3A_146 = arith.constant 0 : i32
    %dma_start3A_147 = tpu.memref_slice %arg2[%mul3A_139, %dma_start3A_146] : memref<100000x128xf32, #tpu.memory_space<hbm>> -> memref<160x128xf32, #tpu.memory_space<hbm>>
    %dma_start3A_148 = tpu.memref_slice %arg12[%dma_start3A_141] : memref<5x!tpu.dma_semaphore, #tpu.memory_space<semaphore_mem>> -> memref<1x!tpu.dma_semaphore, #tpu.memory_space<semaphore_mem>>
    %dma_start3A_149 = tpu.memref_squeeze %dma_start3A_148 : memref<1x!tpu.dma_semaphore, #tpu.memory_space<semaphore_mem>> -> memref<!tpu.dma_semaphore, #tpu.memory_space<semaphore_mem>>
    %dma_start3A_150 = arith.constant 0 : i32
    %dma_start3A_151 = arith.constant 0 : i32
    %dma_start3A_152 = tpu.memref_slice %arg10[%dma_start3A_140, %dma_start3A_150, %dma_start3A_151] : memref<5x160x128xf32, #tpu.memory_space<vmem>> -> memref<1x160x128xf32, #tpu.memory_space<vmem>>
    %dma_start3A_153 = tpu.memref_squeeze %dma_start3A_152 : memref<1x160x128xf32, #tpu.memory_space<vmem>> -> memref<160x128xf32, #tpu.memory_space<vmem>>
    %dma_start3A_154 = arith.constant 0 : i32
    %dma_start3A_155 = tpu.memref_slice %arg2[%mul3A_139, %dma_start3A_154] : memref<100000x128xf32, #tpu.memory_space<hbm>> -> memref<160x128xf32, #tpu.memory_space<hbm>>
    tpu.enqueue_dma source(%dma_start3A_155 : memref<160x128xf32, #tpu.memory_space<hbm>>) target(%dma_start3A_153 : memref<160x128xf32, #tpu.memory_space<vmem>>) target_semaphore(%dma_start3A_149 : memref<!tpu.dma_semaphore, #tpu.memory_space<semaphore_mem>>)
    %dma_start3A_156 = arith.constant 3 : i32
    %dma_start3A_157 = arith.constant 480 : i32
    %dma_start3A_158 = tpu.memref_slice %arg7[%dma_start3A_157] : memref<800xi32, #tpu.memory_space<vmem>> -> memref<160xi32, #tpu.memory_space<vmem>>
    %dma_start3A_159 = tpu.memref_slice %arg3[%mul3A_139] : memref<100000xi32, #tpu.memory_space<hbm>> -> memref<160xi32, #tpu.memory_space<hbm>>
    %dma_start3A_160 = tpu.memref_slice %arg13[%dma_start3A_156] : memref<5x!tpu.dma_semaphore, #tpu.memory_space<semaphore_mem>> -> memref<1x!tpu.dma_semaphore, #tpu.memory_space<semaphore_mem>>
    %dma_start3A_161 = tpu.memref_squeeze %dma_start3A_160 : memref<1x!tpu.dma_semaphore, #tpu.memory_space<semaphore_mem>> -> memref<!tpu.dma_semaphore, #tpu.memory_space<semaphore_mem>>
    %dma_start3A_162 = arith.constant 480 : i32
    %dma_start3A_163 = tpu.memref_slice %arg7[%dma_start3A_162] : memref<800xi32, #tpu.memory_space<vmem>> -> memref<160xi32, #tpu.memory_space<vmem>>
    %dma_start3A_164 = tpu.memref_slice %arg3[%mul3A_139] : memref<100000xi32, #tpu.memory_space<hbm>> -> memref<160xi32, #tpu.memory_space<hbm>>
    tpu.enqueue_dma source(%dma_start3A_164 : memref<160xi32, #tpu.memory_space<hbm>>) target(%dma_start3A_163 : memref<160xi32, #tpu.memory_space<vmem>>) target_semaphore(%dma_start3A_161 : memref<!tpu.dma_semaphore, #tpu.memory_space<semaphore_mem>>)
    %dma_start3A_165 = arith.constant 3 : i32
    %dma_start3A_166 = arith.constant 480 : i32
    %dma_start3A_167 = tpu.memref_slice %arg8[%dma_start3A_166] : memref<800xi32, #tpu.memory_space<vmem>> -> memref<160xi32, #tpu.memory_space<vmem>>
    %dma_start3A_168 = tpu.memref_slice %arg4[%mul3A_139] : memref<100000xi32, #tpu.memory_space<hbm>> -> memref<160xi32, #tpu.memory_space<hbm>>
    %dma_start3A_169 = tpu.memref_slice %arg13[%dma_start3A_165] : memref<5x!tpu.dma_semaphore, #tpu.memory_space<semaphore_mem>> -> memref<1x!tpu.dma_semaphore, #tpu.memory_space<semaphore_mem>>
    %dma_start3A_170 = tpu.memref_squeeze %dma_start3A_169 : memref<1x!tpu.dma_semaphore, #tpu.memory_space<semaphore_mem>> -> memref<!tpu.dma_semaphore, #tpu.memory_space<semaphore_mem>>
    %dma_start3A_171 = arith.constant 480 : i32
    %dma_start3A_172 = tpu.memref_slice %arg8[%dma_start3A_171] : memref<800xi32, #tpu.memory_space<vmem>> -> memref<160xi32, #tpu.memory_space<vmem>>
    %dma_start3A_173 = tpu.memref_slice %arg4[%mul3A_139] : memref<100000xi32, #tpu.memory_space<hbm>> -> memref<160xi32, #tpu.memory_space<hbm>>
    tpu.enqueue_dma source(%dma_start3A_173 : memref<160xi32, #tpu.memory_space<hbm>>) target(%dma_start3A_172 : memref<160xi32, #tpu.memory_space<vmem>>) target_semaphore(%dma_start3A_170 : memref<!tpu.dma_semaphore, #tpu.memory_space<semaphore_mem>>)
    %add3A_174 = arith.constant 128 : i32
    %add3A_175 = arith.addi %add3A, %add3A_174 : i32
    %mul3A_176 = arith.constant 160 : i32
    %mul3A_177 = arith.muli %add3A_175, %mul3A_176 : i32
    %dma_start3A_178 = arith.constant 4 : i32
    %dma_start3A_179 = arith.constant 4 : i32
    %dma_start3A_180 = arith.constant 0 : i32
    %dma_start3A_181 = arith.constant 0 : i32
    %dma_start3A_182 = tpu.memref_slice %arg10[%dma_start3A_178, %dma_start3A_180, %dma_start3A_181] : memref<5x160x128xf32, #tpu.memory_space<vmem>> -> memref<1x160x128xf32, #tpu.memory_space<vmem>>
    %dma_start3A_183 = tpu.memref_squeeze %dma_start3A_182 : memref<1x160x128xf32, #tpu.memory_space<vmem>> -> memref<160x128xf32, #tpu.memory_space<vmem>>
    %dma_start3A_184 = arith.constant 0 : i32
    %dma_start3A_185 = tpu.memref_slice %arg2[%mul3A_177, %dma_start3A_184] : memref<100000x128xf32, #tpu.memory_space<hbm>> -> memref<160x128xf32, #tpu.memory_space<hbm>>
    %dma_start3A_186 = tpu.memref_slice %arg12[%dma_start3A_179] : memref<5x!tpu.dma_semaphore, #tpu.memory_space<semaphore_mem>> -> memref<1x!tpu.dma_semaphore, #tpu.memory_space<semaphore_mem>>
    %dma_start3A_187 = tpu.memref_squeeze %dma_start3A_186 : memref<1x!tpu.dma_semaphore, #tpu.memory_space<semaphore_mem>> -> memref<!tpu.dma_semaphore, #tpu.memory_space<semaphore_mem>>
    %dma_start3A_188 = arith.constant 0 : i32
    %dma_start3A_189 = arith.constant 0 : i32
    %dma_start3A_190 = tpu.memref_slice %arg10[%dma_start3A_178, %dma_start3A_188, %dma_start3A_189] : memref<5x160x128xf32, #tpu.memory_space<vmem>> -> memref<1x160x128xf32, #tpu.memory_space<vmem>>
    %dma_start3A_191 = tpu.memref_squeeze %dma_start3A_190 : memref<1x160x128xf32, #tpu.memory_space<vmem>> -> memref<160x128xf32, #tpu.memory_space<vmem>>
    %dma_start3A_192 = arith.constant 0 : i32
    %dma_start3A_193 = tpu.memref_slice %arg2[%mul3A_177, %dma_start3A_192] : memref<100000x128xf32, #tpu.memory_space<hbm>> -> memref<160x128xf32, #tpu.memory_space<hbm>>
    tpu.enqueue_dma source(%dma_start3A_193 : memref<160x128xf32, #tpu.memory_space<hbm>>) target(%dma_start3A_191 : memref<160x128xf32, #tpu.memory_space<vmem>>) target_semaphore(%dma_start3A_187 : memref<!tpu.dma_semaphore, #tpu.memory_space<semaphore_mem>>)
    %dma_start3A_194 = arith.constant 4 : i32
    %dma_start3A_195 = arith.constant 640 : i32
    %dma_start3A_196 = tpu.memref_slice %arg7[%dma_start3A_195] : memref<800xi32, #tpu.memory_space<vmem>> -> memref<160xi32, #tpu.memory_space<vmem>>
    %dma_start3A_197 = tpu.memref_slice %arg3[%mul3A_177] : memref<100000xi32, #tpu.memory_space<hbm>> -> memref<160xi32, #tpu.memory_space<hbm>>
    %dma_start3A_198 = tpu.memref_slice %arg13[%dma_start3A_194] : memref<5x!tpu.dma_semaphore, #tpu.memory_space<semaphore_mem>> -> memref<1x!tpu.dma_semaphore, #tpu.memory_space<semaphore_mem>>
    %dma_start3A_199 = tpu.memref_squeeze %dma_start3A_198 : memref<1x!tpu.dma_semaphore, #tpu.memory_space<semaphore_mem>> -> memref<!tpu.dma_semaphore, #tpu.memory_space<semaphore_mem>>
    %dma_start3A_200 = arith.constant 640 : i32
    %dma_start3A_201 = tpu.memref_slice %arg7[%dma_start3A_200] : memref<800xi32, #tpu.memory_space<vmem>> -> memref<160xi32, #tpu.memory_space<vmem>>
    %dma_start3A_202 = tpu.memref_slice %arg3[%mul3A_177] : memref<100000xi32, #tpu.memory_space<hbm>> -> memref<160xi32, #tpu.memory_space<hbm>>
    tpu.enqueue_dma source(%dma_start3A_202 : memref<160xi32, #tpu.memory_space<hbm>>) target(%dma_start3A_201 : memref<160xi32, #tpu.memory_space<vmem>>) target_semaphore(%dma_start3A_199 : memref<!tpu.dma_semaphore, #tpu.memory_space<semaphore_mem>>)
    %dma_start3A_203 = arith.constant 4 : i32
    %dma_start3A_204 = arith.constant 640 : i32
    %dma_start3A_205 = tpu.memref_slice %arg8[%dma_start3A_204] : memref<800xi32, #tpu.memory_space<vmem>> -> memref<160xi32, #tpu.memory_space<vmem>>
    %dma_start3A_206 = tpu.memref_slice %arg4[%mul3A_177] : memref<100000xi32, #tpu.memory_space<hbm>> -> memref<160xi32, #tpu.memory_space<hbm>>
    %dma_start3A_207 = tpu.memref_slice %arg13[%dma_start3A_203] : memref<5x!tpu.dma_semaphore, #tpu.memory_space<semaphore_mem>> -> memref<1x!tpu.dma_semaphore, #tpu.memory_space<semaphore_mem>>
    %dma_start3A_208 = tpu.memref_squeeze %dma_start3A_207 : memref<1x!tpu.dma_semaphore, #tpu.memory_space<semaphore_mem>> -> memref<!tpu.dma_semaphore, #tpu.memory_space<semaphore_mem>>
    %dma_start3A_209 = arith.constant 640 : i32
    %dma_start3A_210 = tpu.memref_slice %arg8[%dma_start3A_209] : memref<800xi32, #tpu.memory_space<vmem>> -> memref<160xi32, #tpu.memory_space<vmem>>
    %dma_start3A_211 = tpu.memref_slice %arg4[%mul3A_177] : memref<100000xi32, #tpu.memory_space<hbm>> -> memref<160xi32, #tpu.memory_space<hbm>>
    tpu.enqueue_dma source(%dma_start3A_211 : memref<160xi32, #tpu.memory_space<hbm>>) target(%dma_start3A_210 : memref<160xi32, #tpu.memory_space<vmem>>) target_semaphore(%dma_start3A_208 : memref<!tpu.dma_semaphore, #tpu.memory_space<semaphore_mem>>)
    %mul3A_212 = arith.constant 128 : i32
    %mul3A_213 = arith.muli %arg1, %mul3A_212 : i32
    %mul3A_214 = arith.constant 128 : i32
    %mul3A_215 = arith.muli %arg1, %mul3A_214 : i32
    "tpu.region"() ({
      %run_scoped3A = tpu.sem_alloc : memref<!tpu.dma_semaphore, #tpu.memory_space<semaphore_mem>>
      %dma_start3A_310 = arith.constant 0 : i32
      %dma_start3A_311 = tpu.memref_slice %arg11[%mul3A_215, %dma_start3A_310] : memref<2048x128xf32, #tpu.memory_space<vmem_shared>> -> memref<128x128xf32, #tpu.memory_space<vmem_shared>>
      %dma_start3A_312 = arith.constant 0 : i32
      %dma_start3A_313 = tpu.memref_slice %arg5[%mul3A_213, %dma_start3A_312] : memref<2048x128xf32, #tpu.memory_space<hbm>> -> memref<128x128xf32, #tpu.memory_space<hbm>>
      tpu.enqueue_dma source(%dma_start3A_313 : memref<128x128xf32, #tpu.memory_space<hbm>>) target(%dma_start3A_311 : memref<128x128xf32, #tpu.memory_space<vmem_shared>>) target_semaphore(%run_scoped3A : memref<!tpu.dma_semaphore, #tpu.memory_space<semaphore_mem>>)
      %dma_wait3A_314 = arith.constant 0 : i32
      %dma_wait3A_315 = tpu.memref_slice %arg11[%mul3A_215, %dma_wait3A_314] : memref<2048x128xf32, #tpu.memory_space<vmem_shared>> -> memref<128x128xf32, #tpu.memory_space<vmem_shared>>
      %dma_wait3A_316 = arith.constant 0 : i32
      %dma_wait3A_317 = tpu.memref_slice %arg5[%mul3A_213, %dma_wait3A_316] : memref<2048x128xf32, #tpu.memory_space<hbm>> -> memref<128x128xf32, #tpu.memory_space<hbm>>
      tpu.wait_dma2 semaphore(%run_scoped3A : memref<!tpu.dma_semaphore, #tpu.memory_space<semaphore_mem>>) src(%dma_wait3A_317 : memref<128x128xf32, #tpu.memory_space<hbm>>) dst(%dma_wait3A_315 : memref<128x128xf32, #tpu.memory_space<vmem_shared>>)
      tpu.yield
    }) : () -> ()
    %barrier3A = arith.constant 0 : index
    tpu.barrier barrier_id(%barrier3A)
    %scan3A = arith.constant 0 : i32
    %scan3A_216 = arith.constant 0 : i32
    %scan3A_217 = arith.constant 4 : i32
    %scan3A_218 = arith.addi %scan3A_216, %scan3A_217 : i32
    %scan3A_219 = arith.constant 1 : i32
    scf.for %scan3A_310 = %scan3A_216 to %scan3A_218 step %scan3A_219  : i32 {
      %mul3A_311 = arith.constant 5 : i32
      %mul3A_312 = arith.muli %scan3A_310, %mul3A_311 : i32
      %add3A_313 = arith.constant 0 : i32
      %add3A_314 = arith.addi %mul3A_312, %add3A_313 : i32
      %lt3A = arith.cmpi slt, %add3A_314, %select_n3A : i32
      %convert_element_type3A = arith.extui %lt3A : i1 to i32
      %cond3A = arith.constant 0 : i32
      %cond3A_315 = arith.cmpi ne, %convert_element_type3A, %cond3A : i32
      scf.if %cond3A_315 {
        %dma_wait3A_410 = arith.constant 0 : i32
        %dma_wait3A_411 = arith.constant 0 : i32
        %dma_wait3A_412 = tpu.memref_slice %arg7[%dma_wait3A_411] : memref<800xi32, #tpu.memory_space<vmem>> -> memref<160xi32, #tpu.memory_space<vmem>>
        %dma_wait3A_413 = arith.constant 0 : i32
        %dma_wait3A_414 = tpu.memref_slice %arg3[%dma_wait3A_413] : memref<100000xi32, #tpu.memory_space<hbm>> -> memref<160xi32, #tpu.memory_space<hbm>>
        %dma_wait3A_415 = tpu.memref_slice %arg13[%dma_wait3A_410] : memref<5x!tpu.dma_semaphore, #tpu.memory_space<semaphore_mem>> -> memref<1x!tpu.dma_semaphore, #tpu.memory_space<semaphore_mem>>
        %dma_wait3A_416 = tpu.memref_squeeze %dma_wait3A_415 : memref<1x!tpu.dma_semaphore, #tpu.memory_space<semaphore_mem>> -> memref<!tpu.dma_semaphore, #tpu.memory_space<semaphore_mem>>
        %dma_wait3A_417 = arith.constant 0 : i32
        %dma_wait3A_418 = tpu.memref_slice %arg7[%dma_wait3A_417] : memref<800xi32, #tpu.memory_space<vmem>> -> memref<160xi32, #tpu.memory_space<vmem>>
        %dma_wait3A_419 = arith.constant 0 : i32
        %dma_wait3A_420 = tpu.memref_slice %arg3[%dma_wait3A_419] : memref<100000xi32, #tpu.memory_space<hbm>> -> memref<160xi32, #tpu.memory_space<hbm>>
        tpu.wait_dma2 semaphore(%dma_wait3A_416 : memref<!tpu.dma_semaphore, #tpu.memory_space<semaphore_mem>>) src(%dma_wait3A_420 : memref<160xi32, #tpu.memory_space<hbm>>) dst(%dma_wait3A_418 : memref<160xi32, #tpu.memory_space<vmem>>)
        %dma_wait3A_421 = arith.constant 0 : i32
        %dma_wait3A_422 = arith.constant 0 : i32
        %dma_wait3A_423 = tpu.memref_slice %arg8[%dma_wait3A_422] : memref<800xi32, #tpu.memory_space<vmem>> -> memref<160xi32, #tpu.memory_space<vmem>>
        %dma_wait3A_424 = arith.constant 0 : i32
        %dma_wait3A_425 = tpu.memref_slice %arg4[%dma_wait3A_424] : memref<100000xi32, #tpu.memory_space<hbm>> -> memref<160xi32, #tpu.memory_space<hbm>>
        %dma_wait3A_426 = tpu.memref_slice %arg13[%dma_wait3A_421] : memref<5x!tpu.dma_semaphore, #tpu.memory_space<semaphore_mem>> -> memref<1x!tpu.dma_semaphore, #tpu.memory_space<semaphore_mem>>
        %dma_wait3A_427 = tpu.memref_squeeze %dma_wait3A_426 : memref<1x!tpu.dma_semaphore, #tpu.memory_space<semaphore_mem>> -> memref<!tpu.dma_semaphore, #tpu.memory_space<semaphore_mem>>
        %dma_wait3A_428 = arith.constant 0 : i32
        %dma_wait3A_429 = tpu.memref_slice %arg8[%dma_wait3A_428] : memref<800xi32, #tpu.memory_space<vmem>> -> memref<160xi32, #tpu.memory_space<vmem>>
        %dma_wait3A_430 = arith.constant 0 : i32
        %dma_wait3A_431 = tpu.memref_slice %arg4[%dma_wait3A_430] : memref<100000xi32, #tpu.memory_space<hbm>> -> memref<160xi32, #tpu.memory_space<hbm>>
        tpu.wait_dma2 semaphore(%dma_wait3A_427 : memref<!tpu.dma_semaphore, #tpu.memory_space<semaphore_mem>>) src(%dma_wait3A_431 : memref<160xi32, #tpu.memory_space<hbm>>) dst(%dma_wait3A_429 : memref<160xi32, #tpu.memory_space<vmem>>)
        %scan3A_432 = arith.constant 0 : i32
        %scan3A_433 = arith.constant 0 : i32
        %scan3A_434 = arith.constant 10 : i32
        %scan3A_435 = arith.addi %scan3A_433, %scan3A_434 : i32
        %scan3A_436 = arith.constant 1 : i32
        scf.for %scan3A_472 = %scan3A_433 to %scan3A_435 step %scan3A_436  : i32 {
          %mul3A_473 = arith.constant 16 : i32
          %mul3A_474 = arith.muli %scan3A_472, %mul3A_473 : i32
          %add3A_475 = arith.constant 0 : i32
          %add3A_476 = arith.addi %add3A_475, %mul3A_474 : i32
          %get3A = arith.index_cast %add3A_476 : i32 to index
          %get3A_477 = tpu.vector_load %arg7[%get3A] {strides = array<i32>} : memref<800xi32, #tpu.memory_space<vmem>>, vector<16xi32>,
          %get3A_478 = vector.shape_cast %get3A_477 : vector<16xi32> to vector<16xi32>
          %get3A_479 = arith.index_cast %add3A_476 : i32 to index
          %get3A_480 = tpu.vector_load %arg8[%get3A_479] {strides = array<i32>} : memref<800xi32, #tpu.memory_space<vmem>>, vector<16xi32>,
          %get3A_481 = vector.shape_cast %get3A_480 : vector<16xi32> to vector<16xi32>
          %ne3A_482 = arith.constant 0 : i32
          %ne3A_483 = vector.broadcast %ne3A_482 : i32 to vector<16xi32>
          %ne3A_484 = arith.cmpi ne, %get3A_481, %ne3A_483 : vector<16xi32>
          %add3A_485 = arith.constant 1000 : i32
          %add3A_486 = vector.broadcast %add3A_485 : i32 to vector<16xi32>
          %add3A_487 = arith.addi %get3A_478, %add3A_486 : vector<16xi32>
          %select_n3A_488 = arith.select %ne3A_484, %get3A_478, %add3A_487 : vector<16xi1>, vector<16xi32>
          %swap3A = arith.index_cast %add3A_476 : i32 to index
          %swap3A_489 = tpu.vector_load %arg9[%swap3A] {strides = array<i32>} : memref<800xi32, #tpu.memory_space<vmem>>, vector<16xi32>,
          %swap3A_490 = vector.shape_cast %swap3A_489 : vector<16xi32> to vector<16xi32>
          %swap3A_491 = vector.shape_cast %select_n3A_488 : vector<16xi32> to vector<16xi32>
          tpu.vector_store %arg9[%swap3A], %swap3A_491 {strides = array<i32>} : memref<800xi32, #tpu.memory_space<vmem>>, vector<16xi32>,
        }
        %scan3A_437 = arith.constant 10 : i32
        %dma_wait3A_438 = arith.constant 0 : i32
        %dma_wait3A_439 = arith.constant 0 : i32
        %dma_wait3A_440 = arith.constant 0 : i32
        %dma_wait3A_441 = arith.constant 0 : i32
        %dma_wait3A_442 = tpu.memref_slice %arg10[%dma_wait3A_438, %dma_wait3A_440, %dma_wait3A_441] : memref<5x160x128xf32, #tpu.memory_space<vmem>> -> memref<1x160x128xf32, #tpu.memory_space<vmem>>
        %dma_wait3A_443 = tpu.memref_squeeze %dma_wait3A_442 : memref<1x160x128xf32, #tpu.memory_space<vmem>> -> memref<160x128xf32, #tpu.memory_space<vmem>>
        %dma_wait3A_444 = arith.constant 0 : i32
        %dma_wait3A_445 = arith.constant 0 : i32
        %dma_wait3A_446 = tpu.memref_slice %arg2[%dma_wait3A_444, %dma_wait3A_445] : memref<100000x128xf32, #tpu.memory_space<hbm>> -> memref<160x128xf32, #tpu.memory_space<hbm>>
        %dma_wait3A_447 = tpu.memref_slice %arg12[%dma_wait3A_439] : memref<5x!tpu.dma_semaphore, #tpu.memory_space<semaphore_mem>> -> memref<1x!tpu.dma_semaphore, #tpu.memory_space<semaphore_mem>>
        %dma_wait3A_448 = tpu.memref_squeeze %dma_wait3A_447 : memref<1x!tpu.dma_semaphore, #tpu.memory_space<semaphore_mem>> -> memref<!tpu.dma_semaphore, #tpu.memory_space<semaphore_mem>>
        %dma_wait3A_449 = arith.constant 0 : i32
        %dma_wait3A_450 = arith.constant 0 : i32
        %dma_wait3A_451 = tpu.memref_slice %arg10[%dma_wait3A_438, %dma_wait3A_449, %dma_wait3A_450] : memref<5x160x128xf32, #tpu.memory_space<vmem>> -> memref<1x160x128xf32, #tpu.memory_space<vmem>>
        %dma_wait3A_452 = tpu.memref_squeeze %dma_wait3A_451 : memref<1x160x128xf32, #tpu.memory_space<vmem>> -> memref<160x128xf32, #tpu.memory_space<vmem>>
        %dma_wait3A_453 = arith.constant 0 : i32
        %dma_wait3A_454 = arith.constant 0 : i32
        %dma_wait3A_455 = tpu.memref_slice %arg2[%dma_wait3A_453, %dma_wait3A_454] : memref<100000x128xf32, #tpu.memory_space<hbm>> -> memref<160x128xf32, #tpu.memory_space<hbm>>
        tpu.wait_dma2 semaphore(%dma_wait3A_448 : memref<!tpu.dma_semaphore, #tpu.memory_space<semaphore_mem>>) src(%dma_wait3A_455 : memref<160x128xf32, #tpu.memory_space<hbm>>) dst(%dma_wait3A_452 : memref<160x128xf32, #tpu.memory_space<vmem>>)
        %dma_start3A_456 = arith.constant 0 : i32
        %dma_start3A_457 = arith.constant 0 : i32
        %dma_start3A_458 = arith.constant 0 : i32
        %dma_start3A_459 = arith.constant 0 : i32
        %dma_start3A_460 = tpu.memref_slice %arg10[%dma_start3A_456, %dma_start3A_458, %dma_start3A_459] : memref<5x160x128xf32, #tpu.memory_space<vmem>> -> memref<1x160x128xf32, #tpu.memory_space<vmem>>
        %dma_start3A_461 = tpu.memref_squeeze %dma_start3A_460 : memref<1x160x128xf32, #tpu.memory_space<vmem>> -> memref<160x128xf32, #tpu.memory_space<vmem>>
        %dma_start3A_462 = arith.constant 0 : i32
        %dma_start3A_463 = arith.constant 0 : i32
        %dma_start3A_464 = tpu.memref_slice %dma_start3A_461[%dma_start3A_462, %dma_start3A_463] : memref<160x128xf32, #tpu.memory_space<vmem>> -> memref<160x128xf32, #tpu.memory_space<vmem>>
        %dma_start3A_465 = arith.constant 0 : i32
        %dma_start3A_466 = tpu.memref_slice %arg9[%dma_start3A_465] : memref<800xi32, #tpu.memory_space<vmem>> -> memref<160xi32, #tpu.memory_space<vmem>>
        %dma_start3A_467 = arith.constant 0 : i32
        %dma_start3A_468 = arith.constant 0 : i32
        %dma_start3A_469 = tpu.memref_slice %arg11[%dma_start3A_467, %dma_start3A_468] : memref<2048x128xf32, #tpu.memory_space<vmem_shared>> -> memref<2048x128xf32, #tpu.memory_space<vmem_shared>>
        %dma_start3A_470 = tpu.memref_slice %arg14[%dma_start3A_457] : memref<5x!tpu.dma_semaphore, #tpu.memory_space<semaphore_mem>> -> memref<1x!tpu.dma_semaphore, #tpu.memory_space<semaphore_mem>>
        %dma_start3A_471 = tpu.memref_squeeze %dma_start3A_470 : memref<1x!tpu.dma_semaphore, #tpu.memory_space<semaphore_mem>> -> memref<!tpu.dma_semaphore, #tpu.memory_space<semaphore_mem>>
        tpu.enqueue_indirect_dma source(%dma_start3A_469 : memref<2048x128xf32, #tpu.memory_space<vmem_shared>>) target(%dma_start3A_464 : memref<160x128xf32, #tpu.memory_space<vmem>>) offsets(%dma_start3A_466 : memref<160xi32, #tpu.memory_space<vmem>>) semaphore(%dma_start3A_471 : memref<!tpu.dma_semaphore, #tpu.memory_space<semaphore_mem>>) {add = true}
      } else {
      }
      %add3A_316 = arith.constant 1 : i32
      %add3A_317 = arith.addi %mul3A_312, %add3A_316 : i32
      %lt3A_318 = arith.cmpi slt, %add3A_317, %select_n3A : i32
      %convert_element_type3A_319 = arith.extui %lt3A_318 : i1 to i32
      %cond3A_320 = arith.constant 0 : i32
      %cond3A_321 = arith.cmpi ne, %convert_element_type3A_319, %cond3A_320 : i32
      scf.if %cond3A_321 {
        %dma_wait3A_410 = arith.constant 1 : i32
        %dma_wait3A_411 = arith.constant 160 : i32
        %dma_wait3A_412 = tpu.memref_slice %arg7[%dma_wait3A_411] : memref<800xi32, #tpu.memory_space<vmem>> -> memref<160xi32, #tpu.memory_space<vmem>>
        %dma_wait3A_413 = arith.constant 0 : i32
        %dma_wait3A_414 = tpu.memref_slice %arg3[%dma_wait3A_413] : memref<100000xi32, #tpu.memory_space<hbm>> -> memref<160xi32, #tpu.memory_space<hbm>>
        %dma_wait3A_415 = tpu.memref_slice %arg13[%dma_wait3A_410] : memref<5x!tpu.dma_semaphore, #tpu.memory_space<semaphore_mem>> -> memref<1x!tpu.dma_semaphore, #tpu.memory_space<semaphore_mem>>
        %dma_wait3A_416 = tpu.memref_squeeze %dma_wait3A_415 : memref<1x!tpu.dma_semaphore, #tpu.memory_space<semaphore_mem>> -> memref<!tpu.dma_semaphore, #tpu.memory_space<semaphore_mem>>
        %dma_wait3A_417 = arith.constant 160 : i32
        %dma_wait3A_418 = tpu.memref_slice %arg7[%dma_wait3A_417] : memref<800xi32, #tpu.memory_space<vmem>> -> memref<160xi32, #tpu.memory_space<vmem>>
        %dma_wait3A_419 = arith.constant 0 : i32
        %dma_wait3A_420 = tpu.memref_slice %arg3[%dma_wait3A_419] : memref<100000xi32, #tpu.memory_space<hbm>> -> memref<160xi32, #tpu.memory_space<hbm>>
        tpu.wait_dma2 semaphore(%dma_wait3A_416 : memref<!tpu.dma_semaphore, #tpu.memory_space<semaphore_mem>>) src(%dma_wait3A_420 : memref<160xi32, #tpu.memory_space<hbm>>) dst(%dma_wait3A_418 : memref<160xi32, #tpu.memory_space<vmem>>)
        %dma_wait3A_421 = arith.constant 1 : i32
        %dma_wait3A_422 = arith.constant 160 : i32
        %dma_wait3A_423 = tpu.memref_slice %arg8[%dma_wait3A_422] : memref<800xi32, #tpu.memory_space<vmem>> -> memref<160xi32, #tpu.memory_space<vmem>>
        %dma_wait3A_424 = arith.constant 0 : i32
        %dma_wait3A_425 = tpu.memref_slice %arg4[%dma_wait3A_424] : memref<100000xi32, #tpu.memory_space<hbm>> -> memref<160xi32, #tpu.memory_space<hbm>>
        %dma_wait3A_426 = tpu.memref_slice %arg13[%dma_wait3A_421] : memref<5x!tpu.dma_semaphore, #tpu.memory_space<semaphore_mem>> -> memref<1x!tpu.dma_semaphore, #tpu.memory_space<semaphore_mem>>
        %dma_wait3A_427 = tpu.memref_squeeze %dma_wait3A_426 : memref<1x!tpu.dma_semaphore, #tpu.memory_space<semaphore_mem>> -> memref<!tpu.dma_semaphore, #tpu.memory_space<semaphore_mem>>
        %dma_wait3A_428 = arith.constant 160 : i32
        %dma_wait3A_429 = tpu.memref_slice %arg8[%dma_wait3A_428] : memref<800xi32, #tpu.memory_space<vmem>> -> memref<160xi32, #tpu.memory_space<vmem>>
        %dma_wait3A_430 = arith.constant 0 : i32
        %dma_wait3A_431 = tpu.memref_slice %arg4[%dma_wait3A_430] : memref<100000xi32, #tpu.memory_space<hbm>> -> memref<160xi32, #tpu.memory_space<hbm>>
        tpu.wait_dma2 semaphore(%dma_wait3A_427 : memref<!tpu.dma_semaphore, #tpu.memory_space<semaphore_mem>>) src(%dma_wait3A_431 : memref<160xi32, #tpu.memory_space<hbm>>) dst(%dma_wait3A_429 : memref<160xi32, #tpu.memory_space<vmem>>)
        %scan3A_432 = arith.constant 0 : i32
        %scan3A_433 = arith.constant 0 : i32
        %scan3A_434 = arith.constant 10 : i32
        %scan3A_435 = arith.addi %scan3A_433, %scan3A_434 : i32
        %scan3A_436 = arith.constant 1 : i32
        scf.for %scan3A_472 = %scan3A_433 to %scan3A_435 step %scan3A_436  : i32 {
          %mul3A_473 = arith.constant 16 : i32
          %mul3A_474 = arith.muli %scan3A_472, %mul3A_473 : i32
          %add3A_475 = arith.constant 160 : i32
          %add3A_476 = arith.addi %add3A_475, %mul3A_474 : i32
          %get3A = arith.index_cast %add3A_476 : i32 to index
          %get3A_477 = tpu.vector_load %arg7[%get3A] {strides = array<i32>} : memref<800xi32, #tpu.memory_space<vmem>>, vector<16xi32>,
          %get3A_478 = vector.shape_cast %get3A_477 : vector<16xi32> to vector<16xi32>
          %get3A_479 = arith.index_cast %add3A_476 : i32 to index
          %get3A_480 = tpu.vector_load %arg8[%get3A_479] {strides = array<i32>} : memref<800xi32, #tpu.memory_space<vmem>>, vector<16xi32>,
          %get3A_481 = vector.shape_cast %get3A_480 : vector<16xi32> to vector<16xi32>
          %ne3A_482 = arith.constant 0 : i32
          %ne3A_483 = vector.broadcast %ne3A_482 : i32 to vector<16xi32>
          %ne3A_484 = arith.cmpi ne, %get3A_481, %ne3A_483 : vector<16xi32>
          %add3A_485 = arith.constant 1000 : i32
          %add3A_486 = vector.broadcast %add3A_485 : i32 to vector<16xi32>
          %add3A_487 = arith.addi %get3A_478, %add3A_486 : vector<16xi32>
          %select_n3A_488 = arith.select %ne3A_484, %get3A_478, %add3A_487 : vector<16xi1>, vector<16xi32>
          %swap3A = arith.index_cast %add3A_476 : i32 to index
          %swap3A_489 = tpu.vector_load %arg9[%swap3A] {strides = array<i32>} : memref<800xi32, #tpu.memory_space<vmem>>, vector<16xi32>,
          %swap3A_490 = vector.shape_cast %swap3A_489 : vector<16xi32> to vector<16xi32>
          %swap3A_491 = vector.shape_cast %select_n3A_488 : vector<16xi32> to vector<16xi32>
          tpu.vector_store %arg9[%swap3A], %swap3A_491 {strides = array<i32>} : memref<800xi32, #tpu.memory_space<vmem>>, vector<16xi32>,
        }
        %scan3A_437 = arith.constant 10 : i32
        %dma_wait3A_438 = arith.constant 1 : i32
        %dma_wait3A_439 = arith.constant 1 : i32
        %dma_wait3A_440 = arith.constant 0 : i32
        %dma_wait3A_441 = arith.constant 0 : i32
        %dma_wait3A_442 = tpu.memref_slice %arg10[%dma_wait3A_438, %dma_wait3A_440, %dma_wait3A_441] : memref<5x160x128xf32, #tpu.memory_space<vmem>> -> memref<1x160x128xf32, #tpu.memory_space<vmem>>
        %dma_wait3A_443 = tpu.memref_squeeze %dma_wait3A_442 : memref<1x160x128xf32, #tpu.memory_space<vmem>> -> memref<160x128xf32, #tpu.memory_space<vmem>>
        %dma_wait3A_444 = arith.constant 0 : i32
        %dma_wait3A_445 = arith.constant 0 : i32
        %dma_wait3A_446 = tpu.memref_slice %arg2[%dma_wait3A_444, %dma_wait3A_445] : memref<100000x128xf32, #tpu.memory_space<hbm>> -> memref<160x128xf32, #tpu.memory_space<hbm>>
        %dma_wait3A_447 = tpu.memref_slice %arg12[%dma_wait3A_439] : memref<5x!tpu.dma_semaphore, #tpu.memory_space<semaphore_mem>> -> memref<1x!tpu.dma_semaphore, #tpu.memory_space<semaphore_mem>>
        %dma_wait3A_448 = tpu.memref_squeeze %dma_wait3A_447 : memref<1x!tpu.dma_semaphore, #tpu.memory_space<semaphore_mem>> -> memref<!tpu.dma_semaphore, #tpu.memory_space<semaphore_mem>>
        %dma_wait3A_449 = arith.constant 0 : i32
        %dma_wait3A_450 = arith.constant 0 : i32
        %dma_wait3A_451 = tpu.memref_slice %arg10[%dma_wait3A_438, %dma_wait3A_449, %dma_wait3A_450] : memref<5x160x128xf32, #tpu.memory_space<vmem>> -> memref<1x160x128xf32, #tpu.memory_space<vmem>>
        %dma_wait3A_452 = tpu.memref_squeeze %dma_wait3A_451 : memref<1x160x128xf32, #tpu.memory_space<vmem>> -> memref<160x128xf32, #tpu.memory_space<vmem>>
        %dma_wait3A_453 = arith.constant 0 : i32
        %dma_wait3A_454 = arith.constant 0 : i32
        %dma_wait3A_455 = tpu.memref_slice %arg2[%dma_wait3A_453, %dma_wait3A_454] : memref<100000x128xf32, #tpu.memory_space<hbm>> -> memref<160x128xf32, #tpu.memory_space<hbm>>
        tpu.wait_dma2 semaphore(%dma_wait3A_448 : memref<!tpu.dma_semaphore, #tpu.memory_space<semaphore_mem>>) src(%dma_wait3A_455 : memref<160x128xf32, #tpu.memory_space<hbm>>) dst(%dma_wait3A_452 : memref<160x128xf32, #tpu.memory_space<vmem>>)
        %dma_start3A_456 = arith.constant 1 : i32
        %dma_start3A_457 = arith.constant 1 : i32
        %dma_start3A_458 = arith.constant 0 : i32
        %dma_start3A_459 = arith.constant 0 : i32
        %dma_start3A_460 = tpu.memref_slice %arg10[%dma_start3A_456, %dma_start3A_458, %dma_start3A_459] : memref<5x160x128xf32, #tpu.memory_space<vmem>> -> memref<1x160x128xf32, #tpu.memory_space<vmem>>
        %dma_start3A_461 = tpu.memref_squeeze %dma_start3A_460 : memref<1x160x128xf32, #tpu.memory_space<vmem>> -> memref<160x128xf32, #tpu.memory_space<vmem>>
        %dma_start3A_462 = arith.constant 0 : i32
        %dma_start3A_463 = arith.constant 0 : i32
        %dma_start3A_464 = tpu.memref_slice %dma_start3A_461[%dma_start3A_462, %dma_start3A_463] : memref<160x128xf32, #tpu.memory_space<vmem>> -> memref<160x128xf32, #tpu.memory_space<vmem>>
        %dma_start3A_465 = arith.constant 160 : i32
        %dma_start3A_466 = tpu.memref_slice %arg9[%dma_start3A_465] : memref<800xi32, #tpu.memory_space<vmem>> -> memref<160xi32, #tpu.memory_space<vmem>>
        %dma_start3A_467 = arith.constant 0 : i32
        %dma_start3A_468 = arith.constant 0 : i32
        %dma_start3A_469 = tpu.memref_slice %arg11[%dma_start3A_467, %dma_start3A_468] : memref<2048x128xf32, #tpu.memory_space<vmem_shared>> -> memref<2048x128xf32, #tpu.memory_space<vmem_shared>>
        %dma_start3A_470 = tpu.memref_slice %arg14[%dma_start3A_457] : memref<5x!tpu.dma_semaphore, #tpu.memory_space<semaphore_mem>> -> memref<1x!tpu.dma_semaphore, #tpu.memory_space<semaphore_mem>>
        %dma_start3A_471 = tpu.memref_squeeze %dma_start3A_470 : memref<1x!tpu.dma_semaphore, #tpu.memory_space<semaphore_mem>> -> memref<!tpu.dma_semaphore, #tpu.memory_space<semaphore_mem>>
        tpu.enqueue_indirect_dma source(%dma_start3A_469 : memref<2048x128xf32, #tpu.memory_space<vmem_shared>>) target(%dma_start3A_464 : memref<160x128xf32, #tpu.memory_space<vmem>>) offsets(%dma_start3A_466 : memref<160xi32, #tpu.memory_space<vmem>>) semaphore(%dma_start3A_471 : memref<!tpu.dma_semaphore, #tpu.memory_space<semaphore_mem>>) {add = true}
      } else {
      }
      %add3A_322 = arith.constant 2 : i32
      %add3A_323 = arith.addi %mul3A_312, %add3A_322 : i32
      %lt3A_324 = arith.cmpi slt, %add3A_323, %select_n3A : i32
      %convert_element_type3A_325 = arith.extui %lt3A_324 : i1 to i32
      %cond3A_326 = arith.constant 0 : i32
      %cond3A_327 = arith.cmpi ne, %convert_element_type3A_325, %cond3A_326 : i32
      scf.if %cond3A_327 {
        %dma_wait3A_410 = arith.constant 2 : i32
        %dma_wait3A_411 = arith.constant 320 : i32
        %dma_wait3A_412 = tpu.memref_slice %arg7[%dma_wait3A_411] : memref<800xi32, #tpu.memory_space<vmem>> -> memref<160xi32, #tpu.memory_space<vmem>>
        %dma_wait3A_413 = arith.constant 0 : i32
        %dma_wait3A_414 = tpu.memref_slice %arg3[%dma_wait3A_413] : memref<100000xi32, #tpu.memory_space<hbm>> -> memref<160xi32, #tpu.memory_space<hbm>>
        %dma_wait3A_415 = tpu.memref_slice %arg13[%dma_wait3A_410] : memref<5x!tpu.dma_semaphore, #tpu.memory_space<semaphore_mem>> -> memref<1x!tpu.dma_semaphore, #tpu.memory_space<semaphore_mem>>
        %dma_wait3A_416 = tpu.memref_squeeze %dma_wait3A_415 : memref<1x!tpu.dma_semaphore, #tpu.memory_space<semaphore_mem>> -> memref<!tpu.dma_semaphore, #tpu.memory_space<semaphore_mem>>
        %dma_wait3A_417 = arith.constant 320 : i32
        %dma_wait3A_418 = tpu.memref_slice %arg7[%dma_wait3A_417] : memref<800xi32, #tpu.memory_space<vmem>> -> memref<160xi32, #tpu.memory_space<vmem>>
        %dma_wait3A_419 = arith.constant 0 : i32
        %dma_wait3A_420 = tpu.memref_slice %arg3[%dma_wait3A_419] : memref<100000xi32, #tpu.memory_space<hbm>> -> memref<160xi32, #tpu.memory_space<hbm>>
        tpu.wait_dma2 semaphore(%dma_wait3A_416 : memref<!tpu.dma_semaphore, #tpu.memory_space<semaphore_mem>>) src(%dma_wait3A_420 : memref<160xi32, #tpu.memory_space<hbm>>) dst(%dma_wait3A_418 : memref<160xi32, #tpu.memory_space<vmem>>)
        %dma_wait3A_421 = arith.constant 2 : i32
        %dma_wait3A_422 = arith.constant 320 : i32
        %dma_wait3A_423 = tpu.memref_slice %arg8[%dma_wait3A_422] : memref<800xi32, #tpu.memory_space<vmem>> -> memref<160xi32, #tpu.memory_space<vmem>>
        %dma_wait3A_424 = arith.constant 0 : i32
        %dma_wait3A_425 = tpu.memref_slice %arg4[%dma_wait3A_424] : memref<100000xi32, #tpu.memory_space<hbm>> -> memref<160xi32, #tpu.memory_space<hbm>>
        %dma_wait3A_426 = tpu.memref_slice %arg13[%dma_wait3A_421] : memref<5x!tpu.dma_semaphore, #tpu.memory_space<semaphore_mem>> -> memref<1x!tpu.dma_semaphore, #tpu.memory_space<semaphore_mem>>
        %dma_wait3A_427 = tpu.memref_squeeze %dma_wait3A_426 : memref<1x!tpu.dma_semaphore, #tpu.memory_space<semaphore_mem>> -> memref<!tpu.dma_semaphore, #tpu.memory_space<semaphore_mem>>
        %dma_wait3A_428 = arith.constant 320 : i32
        %dma_wait3A_429 = tpu.memref_slice %arg8[%dma_wait3A_428] : memref<800xi32, #tpu.memory_space<vmem>> -> memref<160xi32, #tpu.memory_space<vmem>>
        %dma_wait3A_430 = arith.constant 0 : i32
        %dma_wait3A_431 = tpu.memref_slice %arg4[%dma_wait3A_430] : memref<100000xi32, #tpu.memory_space<hbm>> -> memref<160xi32, #tpu.memory_space<hbm>>
        tpu.wait_dma2 semaphore(%dma_wait3A_427 : memref<!tpu.dma_semaphore, #tpu.memory_space<semaphore_mem>>) src(%dma_wait3A_431 : memref<160xi32, #tpu.memory_space<hbm>>) dst(%dma_wait3A_429 : memref<160xi32, #tpu.memory_space<vmem>>)
        %scan3A_432 = arith.constant 0 : i32
        %scan3A_433 = arith.constant 0 : i32
        %scan3A_434 = arith.constant 10 : i32
        %scan3A_435 = arith.addi %scan3A_433, %scan3A_434 : i32
        %scan3A_436 = arith.constant 1 : i32
        scf.for %scan3A_472 = %scan3A_433 to %scan3A_435 step %scan3A_436  : i32 {
          %mul3A_473 = arith.constant 16 : i32
          %mul3A_474 = arith.muli %scan3A_472, %mul3A_473 : i32
          %add3A_475 = arith.constant 320 : i32
          %add3A_476 = arith.addi %add3A_475, %mul3A_474 : i32
          %get3A = arith.index_cast %add3A_476 : i32 to index
          %get3A_477 = tpu.vector_load %arg7[%get3A] {strides = array<i32>} : memref<800xi32, #tpu.memory_space<vmem>>, vector<16xi32>,
          %get3A_478 = vector.shape_cast %get3A_477 : vector<16xi32> to vector<16xi32>
          %get3A_479 = arith.index_cast %add3A_476 : i32 to index
          %get3A_480 = tpu.vector_load %arg8[%get3A_479] {strides = array<i32>} : memref<800xi32, #tpu.memory_space<vmem>>, vector<16xi32>,
          %get3A_481 = vector.shape_cast %get3A_480 : vector<16xi32> to vector<16xi32>
          %ne3A_482 = arith.constant 0 : i32
          %ne3A_483 = vector.broadcast %ne3A_482 : i32 to vector<16xi32>
          %ne3A_484 = arith.cmpi ne, %get3A_481, %ne3A_483 : vector<16xi32>
          %add3A_485 = arith.constant 1000 : i32
          %add3A_486 = vector.broadcast %add3A_485 : i32 to vector<16xi32>
          %add3A_487 = arith.addi %get3A_478, %add3A_486 : vector<16xi32>
          %select_n3A_488 = arith.select %ne3A_484, %get3A_478, %add3A_487 : vector<16xi1>, vector<16xi32>
          %swap3A = arith.index_cast %add3A_476 : i32 to index
          %swap3A_489 = tpu.vector_load %arg9[%swap3A] {strides = array<i32>} : memref<800xi32, #tpu.memory_space<vmem>>, vector<16xi32>,
          %swap3A_490 = vector.shape_cast %swap3A_489 : vector<16xi32> to vector<16xi32>
          %swap3A_491 = vector.shape_cast %select_n3A_488 : vector<16xi32> to vector<16xi32>
          tpu.vector_store %arg9[%swap3A], %swap3A_491 {strides = array<i32>} : memref<800xi32, #tpu.memory_space<vmem>>, vector<16xi32>,
        }
        %scan3A_437 = arith.constant 10 : i32
        %dma_wait3A_438 = arith.constant 2 : i32
        %dma_wait3A_439 = arith.constant 2 : i32
        %dma_wait3A_440 = arith.constant 0 : i32
        %dma_wait3A_441 = arith.constant 0 : i32
        %dma_wait3A_442 = tpu.memref_slice %arg10[%dma_wait3A_438, %dma_wait3A_440, %dma_wait3A_441] : memref<5x160x128xf32, #tpu.memory_space<vmem>> -> memref<1x160x128xf32, #tpu.memory_space<vmem>>
        %dma_wait3A_443 = tpu.memref_squeeze %dma_wait3A_442 : memref<1x160x128xf32, #tpu.memory_space<vmem>> -> memref<160x128xf32, #tpu.memory_space<vmem>>
        %dma_wait3A_444 = arith.constant 0 : i32
        %dma_wait3A_445 = arith.constant 0 : i32
        %dma_wait3A_446 = tpu.memref_slice %arg2[%dma_wait3A_444, %dma_wait3A_445] : memref<100000x128xf32, #tpu.memory_space<hbm>> -> memref<160x128xf32, #tpu.memory_space<hbm>>
        %dma_wait3A_447 = tpu.memref_slice %arg12[%dma_wait3A_439] : memref<5x!tpu.dma_semaphore, #tpu.memory_space<semaphore_mem>> -> memref<1x!tpu.dma_semaphore, #tpu.memory_space<semaphore_mem>>
        %dma_wait3A_448 = tpu.memref_squeeze %dma_wait3A_447 : memref<1x!tpu.dma_semaphore, #tpu.memory_space<semaphore_mem>> -> memref<!tpu.dma_semaphore, #tpu.memory_space<semaphore_mem>>
        %dma_wait3A_449 = arith.constant 0 : i32
        %dma_wait3A_450 = arith.constant 0 : i32
        %dma_wait3A_451 = tpu.memref_slice %arg10[%dma_wait3A_438, %dma_wait3A_449, %dma_wait3A_450] : memref<5x160x128xf32, #tpu.memory_space<vmem>> -> memref<1x160x128xf32, #tpu.memory_space<vmem>>
        %dma_wait3A_452 = tpu.memref_squeeze %dma_wait3A_451 : memref<1x160x128xf32, #tpu.memory_space<vmem>> -> memref<160x128xf32, #tpu.memory_space<vmem>>
        %dma_wait3A_453 = arith.constant 0 : i32
        %dma_wait3A_454 = arith.constant 0 : i32
        %dma_wait3A_455 = tpu.memref_slice %arg2[%dma_wait3A_453, %dma_wait3A_454] : memref<100000x128xf32, #tpu.memory_space<hbm>> -> memref<160x128xf32, #tpu.memory_space<hbm>>
        tpu.wait_dma2 semaphore(%dma_wait3A_448 : memref<!tpu.dma_semaphore, #tpu.memory_space<semaphore_mem>>) src(%dma_wait3A_455 : memref<160x128xf32, #tpu.memory_space<hbm>>) dst(%dma_wait3A_452 : memref<160x128xf32, #tpu.memory_space<vmem>>)
        %dma_start3A_456 = arith.constant 2 : i32
        %dma_start3A_457 = arith.constant 2 : i32
        %dma_start3A_458 = arith.constant 0 : i32
        %dma_start3A_459 = arith.constant 0 : i32
        %dma_start3A_460 = tpu.memref_slice %arg10[%dma_start3A_456, %dma_start3A_458, %dma_start3A_459] : memref<5x160x128xf32, #tpu.memory_space<vmem>> -> memref<1x160x128xf32, #tpu.memory_space<vmem>>
        %dma_start3A_461 = tpu.memref_squeeze %dma_start3A_460 : memref<1x160x128xf32, #tpu.memory_space<vmem>> -> memref<160x128xf32, #tpu.memory_space<vmem>>
        %dma_start3A_462 = arith.constant 0 : i32
        %dma_start3A_463 = arith.constant 0 : i32
        %dma_start3A_464 = tpu.memref_slice %dma_start3A_461[%dma_start3A_462, %dma_start3A_463] : memref<160x128xf32, #tpu.memory_space<vmem>> -> memref<160x128xf32, #tpu.memory_space<vmem>>
        %dma_start3A_465 = arith.constant 320 : i32
        %dma_start3A_466 = tpu.memref_slice %arg9[%dma_start3A_465] : memref<800xi32, #tpu.memory_space<vmem>> -> memref<160xi32, #tpu.memory_space<vmem>>
        %dma_start3A_467 = arith.constant 0 : i32
        %dma_start3A_468 = arith.constant 0 : i32
        %dma_start3A_469 = tpu.memref_slice %arg11[%dma_start3A_467, %dma_start3A_468] : memref<2048x128xf32, #tpu.memory_space<vmem_shared>> -> memref<2048x128xf32, #tpu.memory_space<vmem_shared>>
        %dma_start3A_470 = tpu.memref_slice %arg14[%dma_start3A_457] : memref<5x!tpu.dma_semaphore, #tpu.memory_space<semaphore_mem>> -> memref<1x!tpu.dma_semaphore, #tpu.memory_space<semaphore_mem>>
        %dma_start3A_471 = tpu.memref_squeeze %dma_start3A_470 : memref<1x!tpu.dma_semaphore, #tpu.memory_space<semaphore_mem>> -> memref<!tpu.dma_semaphore, #tpu.memory_space<semaphore_mem>>
        tpu.enqueue_indirect_dma source(%dma_start3A_469 : memref<2048x128xf32, #tpu.memory_space<vmem_shared>>) target(%dma_start3A_464 : memref<160x128xf32, #tpu.memory_space<vmem>>) offsets(%dma_start3A_466 : memref<160xi32, #tpu.memory_space<vmem>>) semaphore(%dma_start3A_471 : memref<!tpu.dma_semaphore, #tpu.memory_space<semaphore_mem>>) {add = true}
      } else {
      }
      %add3A_328 = arith.constant 3 : i32
      %add3A_329 = arith.addi %mul3A_312, %add3A_328 : i32
      %lt3A_330 = arith.cmpi slt, %add3A_329, %select_n3A : i32
      %convert_element_type3A_331 = arith.extui %lt3A_330 : i1 to i32
      %cond3A_332 = arith.constant 0 : i32
      %cond3A_333 = arith.cmpi ne, %convert_element_type3A_331, %cond3A_332 : i32
      scf.if %cond3A_333 {
        %dma_wait3A_410 = arith.constant 3 : i32
        %dma_wait3A_411 = arith.constant 480 : i32
        %dma_wait3A_412 = tpu.memref_slice %arg7[%dma_wait3A_411] : memref<800xi32, #tpu.memory_space<vmem>> -> memref<160xi32, #tpu.memory_space<vmem>>
        %dma_wait3A_413 = arith.constant 0 : i32
        %dma_wait3A_414 = tpu.memref_slice %arg3[%dma_wait3A_413] : memref<100000xi32, #tpu.memory_space<hbm>> -> memref<160xi32, #tpu.memory_space<hbm>>
        %dma_wait3A_415 = tpu.memref_slice %arg13[%dma_wait3A_410] : memref<5x!tpu.dma_semaphore, #tpu.memory_space<semaphore_mem>> -> memref<1x!tpu.dma_semaphore, #tpu.memory_space<semaphore_mem>>
        %dma_wait3A_416 = tpu.memref_squeeze %dma_wait3A_415 : memref<1x!tpu.dma_semaphore, #tpu.memory_space<semaphore_mem>> -> memref<!tpu.dma_semaphore, #tpu.memory_space<semaphore_mem>>
        %dma_wait3A_417 = arith.constant 480 : i32
        %dma_wait3A_418 = tpu.memref_slice %arg7[%dma_wait3A_417] : memref<800xi32, #tpu.memory_space<vmem>> -> memref<160xi32, #tpu.memory_space<vmem>>
        %dma_wait3A_419 = arith.constant 0 : i32
        %dma_wait3A_420 = tpu.memref_slice %arg3[%dma_wait3A_419] : memref<100000xi32, #tpu.memory_space<hbm>> -> memref<160xi32, #tpu.memory_space<hbm>>
        tpu.wait_dma2 semaphore(%dma_wait3A_416 : memref<!tpu.dma_semaphore, #tpu.memory_space<semaphore_mem>>) src(%dma_wait3A_420 : memref<160xi32, #tpu.memory_space<hbm>>) dst(%dma_wait3A_418 : memref<160xi32, #tpu.memory_space<vmem>>)
        %dma_wait3A_421 = arith.constant 3 : i32
        %dma_wait3A_422 = arith.constant 480 : i32
        %dma_wait3A_423 = tpu.memref_slice %arg8[%dma_wait3A_422] : memref<800xi32, #tpu.memory_space<vmem>> -> memref<160xi32, #tpu.memory_space<vmem>>
        %dma_wait3A_424 = arith.constant 0 : i32
        %dma_wait3A_425 = tpu.memref_slice %arg4[%dma_wait3A_424] : memref<100000xi32, #tpu.memory_space<hbm>> -> memref<160xi32, #tpu.memory_space<hbm>>
        %dma_wait3A_426 = tpu.memref_slice %arg13[%dma_wait3A_421] : memref<5x!tpu.dma_semaphore, #tpu.memory_space<semaphore_mem>> -> memref<1x!tpu.dma_semaphore, #tpu.memory_space<semaphore_mem>>
        %dma_wait3A_427 = tpu.memref_squeeze %dma_wait3A_426 : memref<1x!tpu.dma_semaphore, #tpu.memory_space<semaphore_mem>> -> memref<!tpu.dma_semaphore, #tpu.memory_space<semaphore_mem>>
        %dma_wait3A_428 = arith.constant 480 : i32
        %dma_wait3A_429 = tpu.memref_slice %arg8[%dma_wait3A_428] : memref<800xi32, #tpu.memory_space<vmem>> -> memref<160xi32, #tpu.memory_space<vmem>>
        %dma_wait3A_430 = arith.constant 0 : i32
        %dma_wait3A_431 = tpu.memref_slice %arg4[%dma_wait3A_430] : memref<100000xi32, #tpu.memory_space<hbm>> -> memref<160xi32, #tpu.memory_space<hbm>>
        tpu.wait_dma2 semaphore(%dma_wait3A_427 : memref<!tpu.dma_semaphore, #tpu.memory_space<semaphore_mem>>) src(%dma_wait3A_431 : memref<160xi32, #tpu.memory_space<hbm>>) dst(%dma_wait3A_429 : memref<160xi32, #tpu.memory_space<vmem>>)
        %scan3A_432 = arith.constant 0 : i32
        %scan3A_433 = arith.constant 0 : i32
        %scan3A_434 = arith.constant 10 : i32
        %scan3A_435 = arith.addi %scan3A_433, %scan3A_434 : i32
        %scan3A_436 = arith.constant 1 : i32
        scf.for %scan3A_472 = %scan3A_433 to %scan3A_435 step %scan3A_436  : i32 {
          %mul3A_473 = arith.constant 16 : i32
          %mul3A_474 = arith.muli %scan3A_472, %mul3A_473 : i32
          %add3A_475 = arith.constant 480 : i32
          %add3A_476 = arith.addi %add3A_475, %mul3A_474 : i32
          %get3A = arith.index_cast %add3A_476 : i32 to index
          %get3A_477 = tpu.vector_load %arg7[%get3A] {strides = array<i32>} : memref<800xi32, #tpu.memory_space<vmem>>, vector<16xi32>,
          %get3A_478 = vector.shape_cast %get3A_477 : vector<16xi32> to vector<16xi32>
          %get3A_479 = arith.index_cast %add3A_476 : i32 to index
          %get3A_480 = tpu.vector_load %arg8[%get3A_479] {strides = array<i32>} : memref<800xi32, #tpu.memory_space<vmem>>, vector<16xi32>,
          %get3A_481 = vector.shape_cast %get3A_480 : vector<16xi32> to vector<16xi32>
          %ne3A_482 = arith.constant 0 : i32
          %ne3A_483 = vector.broadcast %ne3A_482 : i32 to vector<16xi32>
          %ne3A_484 = arith.cmpi ne, %get3A_481, %ne3A_483 : vector<16xi32>
          %add3A_485 = arith.constant 1000 : i32
          %add3A_486 = vector.broadcast %add3A_485 : i32 to vector<16xi32>
          %add3A_487 = arith.addi %get3A_478, %add3A_486 : vector<16xi32>
          %select_n3A_488 = arith.select %ne3A_484, %get3A_478, %add3A_487 : vector<16xi1>, vector<16xi32>
          %swap3A = arith.index_cast %add3A_476 : i32 to index
          %swap3A_489 = tpu.vector_load %arg9[%swap3A] {strides = array<i32>} : memref<800xi32, #tpu.memory_space<vmem>>, vector<16xi32>,
          %swap3A_490 = vector.shape_cast %swap3A_489 : vector<16xi32> to vector<16xi32>
          %swap3A_491 = vector.shape_cast %select_n3A_488 : vector<16xi32> to vector<16xi32>
          tpu.vector_store %arg9[%swap3A], %swap3A_491 {strides = array<i32>} : memref<800xi32, #tpu.memory_space<vmem>>, vector<16xi32>,
        }
        %scan3A_437 = arith.constant 10 : i32
        %dma_wait3A_438 = arith.constant 3 : i32
        %dma_wait3A_439 = arith.constant 3 : i32
        %dma_wait3A_440 = arith.constant 0 : i32
        %dma_wait3A_441 = arith.constant 0 : i32
        %dma_wait3A_442 = tpu.memref_slice %arg10[%dma_wait3A_438, %dma_wait3A_440, %dma_wait3A_441] : memref<5x160x128xf32, #tpu.memory_space<vmem>> -> memref<1x160x128xf32, #tpu.memory_space<vmem>>
        %dma_wait3A_443 = tpu.memref_squeeze %dma_wait3A_442 : memref<1x160x128xf32, #tpu.memory_space<vmem>> -> memref<160x128xf32, #tpu.memory_space<vmem>>
        %dma_wait3A_444 = arith.constant 0 : i32
        %dma_wait3A_445 = arith.constant 0 : i32
        %dma_wait3A_446 = tpu.memref_slice %arg2[%dma_wait3A_444, %dma_wait3A_445] : memref<100000x128xf32, #tpu.memory_space<hbm>> -> memref<160x128xf32, #tpu.memory_space<hbm>>
        %dma_wait3A_447 = tpu.memref_slice %arg12[%dma_wait3A_439] : memref<5x!tpu.dma_semaphore, #tpu.memory_space<semaphore_mem>> -> memref<1x!tpu.dma_semaphore, #tpu.memory_space<semaphore_mem>>
        %dma_wait3A_448 = tpu.memref_squeeze %dma_wait3A_447 : memref<1x!tpu.dma_semaphore, #tpu.memory_space<semaphore_mem>> -> memref<!tpu.dma_semaphore, #tpu.memory_space<semaphore_mem>>
        %dma_wait3A_449 = arith.constant 0 : i32
        %dma_wait3A_450 = arith.constant 0 : i32
        %dma_wait3A_451 = tpu.memref_slice %arg10[%dma_wait3A_438, %dma_wait3A_449, %dma_wait3A_450] : memref<5x160x128xf32, #tpu.memory_space<vmem>> -> memref<1x160x128xf32, #tpu.memory_space<vmem>>
        %dma_wait3A_452 = tpu.memref_squeeze %dma_wait3A_451 : memref<1x160x128xf32, #tpu.memory_space<vmem>> -> memref<160x128xf32, #tpu.memory_space<vmem>>
        %dma_wait3A_453 = arith.constant 0 : i32
        %dma_wait3A_454 = arith.constant 0 : i32
        %dma_wait3A_455 = tpu.memref_slice %arg2[%dma_wait3A_453, %dma_wait3A_454] : memref<100000x128xf32, #tpu.memory_space<hbm>> -> memref<160x128xf32, #tpu.memory_space<hbm>>
        tpu.wait_dma2 semaphore(%dma_wait3A_448 : memref<!tpu.dma_semaphore, #tpu.memory_space<semaphore_mem>>) src(%dma_wait3A_455 : memref<160x128xf32, #tpu.memory_space<hbm>>) dst(%dma_wait3A_452 : memref<160x128xf32, #tpu.memory_space<vmem>>)
        %dma_start3A_456 = arith.constant 3 : i32
        %dma_start3A_457 = arith.constant 3 : i32
        %dma_start3A_458 = arith.constant 0 : i32
        %dma_start3A_459 = arith.constant 0 : i32
        %dma_start3A_460 = tpu.memref_slice %arg10[%dma_start3A_456, %dma_start3A_458, %dma_start3A_459] : memref<5x160x128xf32, #tpu.memory_space<vmem>> -> memref<1x160x128xf32, #tpu.memory_space<vmem>>
        %dma_start3A_461 = tpu.memref_squeeze %dma_start3A_460 : memref<1x160x128xf32, #tpu.memory_space<vmem>> -> memref<160x128xf32, #tpu.memory_space<vmem>>
        %dma_start3A_462 = arith.constant 0 : i32
        %dma_start3A_463 = arith.constant 0 : i32
        %dma_start3A_464 = tpu.memref_slice %dma_start3A_461[%dma_start3A_462, %dma_start3A_463] : memref<160x128xf32, #tpu.memory_space<vmem>> -> memref<160x128xf32, #tpu.memory_space<vmem>>
        %dma_start3A_465 = arith.constant 480 : i32
        %dma_start3A_466 = tpu.memref_slice %arg9[%dma_start3A_465] : memref<800xi32, #tpu.memory_space<vmem>> -> memref<160xi32, #tpu.memory_space<vmem>>
        %dma_start3A_467 = arith.constant 0 : i32
        %dma_start3A_468 = arith.constant 0 : i32
        %dma_start3A_469 = tpu.memref_slice %arg11[%dma_start3A_467, %dma_start3A_468] : memref<2048x128xf32, #tpu.memory_space<vmem_shared>> -> memref<2048x128xf32, #tpu.memory_space<vmem_shared>>
        %dma_start3A_470 = tpu.memref_slice %arg14[%dma_start3A_457] : memref<5x!tpu.dma_semaphore, #tpu.memory_space<semaphore_mem>> -> memref<1x!tpu.dma_semaphore, #tpu.memory_space<semaphore_mem>>
        %dma_start3A_471 = tpu.memref_squeeze %dma_start3A_470 : memref<1x!tpu.dma_semaphore, #tpu.memory_space<semaphore_mem>> -> memref<!tpu.dma_semaphore, #tpu.memory_space<semaphore_mem>>
        tpu.enqueue_indirect_dma source(%dma_start3A_469 : memref<2048x128xf32, #tpu.memory_space<vmem_shared>>) target(%dma_start3A_464 : memref<160x128xf32, #tpu.memory_space<vmem>>) offsets(%dma_start3A_466 : memref<160xi32, #tpu.memory_space<vmem>>) semaphore(%dma_start3A_471 : memref<!tpu.dma_semaphore, #tpu.memory_space<semaphore_mem>>) {add = true}
      } else {
      }
      %add3A_334 = arith.constant 4 : i32
      %add3A_335 = arith.addi %mul3A_312, %add3A_334 : i32
      %lt3A_336 = arith.cmpi slt, %add3A_335, %select_n3A : i32
      %convert_element_type3A_337 = arith.extui %lt3A_336 : i1 to i32
      %cond3A_338 = arith.constant 0 : i32
      %cond3A_339 = arith.cmpi ne, %convert_element_type3A_337, %cond3A_338 : i32
      scf.if %cond3A_339 {
        %dma_wait3A_410 = arith.constant 4 : i32
        %dma_wait3A_411 = arith.constant 640 : i32
        %dma_wait3A_412 = tpu.memref_slice %arg7[%dma_wait3A_411] : memref<800xi32, #tpu.memory_space<vmem>> -> memref<160xi32, #tpu.memory_space<vmem>>
        %dma_wait3A_413 = arith.constant 0 : i32
        %dma_wait3A_414 = tpu.memref_slice %arg3[%dma_wait3A_413] : memref<100000xi32, #tpu.memory_space<hbm>> -> memref<160xi32, #tpu.memory_space<hbm>>
        %dma_wait3A_415 = tpu.memref_slice %arg13[%dma_wait3A_410] : memref<5x!tpu.dma_semaphore, #tpu.memory_space<semaphore_mem>> -> memref<1x!tpu.dma_semaphore, #tpu.memory_space<semaphore_mem>>
        %dma_wait3A_416 = tpu.memref_squeeze %dma_wait3A_415 : memref<1x!tpu.dma_semaphore, #tpu.memory_space<semaphore_mem>> -> memref<!tpu.dma_semaphore, #tpu.memory_space<semaphore_mem>>
        %dma_wait3A_417 = arith.constant 640 : i32
        %dma_wait3A_418 = tpu.memref_slice %arg7[%dma_wait3A_417] : memref<800xi32, #tpu.memory_space<vmem>> -> memref<160xi32, #tpu.memory_space<vmem>>
        %dma_wait3A_419 = arith.constant 0 : i32
        %dma_wait3A_420 = tpu.memref_slice %arg3[%dma_wait3A_419] : memref<100000xi32, #tpu.memory_space<hbm>> -> memref<160xi32, #tpu.memory_space<hbm>>
        tpu.wait_dma2 semaphore(%dma_wait3A_416 : memref<!tpu.dma_semaphore, #tpu.memory_space<semaphore_mem>>) src(%dma_wait3A_420 : memref<160xi32, #tpu.memory_space<hbm>>) dst(%dma_wait3A_418 : memref<160xi32, #tpu.memory_space<vmem>>)
        %dma_wait3A_421 = arith.constant 4 : i32
        %dma_wait3A_422 = arith.constant 640 : i32
        %dma_wait3A_423 = tpu.memref_slice %arg8[%dma_wait3A_422] : memref<800xi32, #tpu.memory_space<vmem>> -> memref<160xi32, #tpu.memory_space<vmem>>
        %dma_wait3A_424 = arith.constant 0 : i32
        %dma_wait3A_425 = tpu.memref_slice %arg4[%dma_wait3A_424] : memref<100000xi32, #tpu.memory_space<hbm>> -> memref<160xi32, #tpu.memory_space<hbm>>
        %dma_wait3A_426 = tpu.memref_slice %arg13[%dma_wait3A_421] : memref<5x!tpu.dma_semaphore, #tpu.memory_space<semaphore_mem>> -> memref<1x!tpu.dma_semaphore, #tpu.memory_space<semaphore_mem>>
        %dma_wait3A_427 = tpu.memref_squeeze %dma_wait3A_426 : memref<1x!tpu.dma_semaphore, #tpu.memory_space<semaphore_mem>> -> memref<!tpu.dma_semaphore, #tpu.memory_space<semaphore_mem>>
        %dma_wait3A_428 = arith.constant 640 : i32
        %dma_wait3A_429 = tpu.memref_slice %arg8[%dma_wait3A_428] : memref<800xi32, #tpu.memory_space<vmem>> -> memref<160xi32, #tpu.memory_space<vmem>>
        %dma_wait3A_430 = arith.constant 0 : i32
        %dma_wait3A_431 = tpu.memref_slice %arg4[%dma_wait3A_430] : memref<100000xi32, #tpu.memory_space<hbm>> -> memref<160xi32, #tpu.memory_space<hbm>>
        tpu.wait_dma2 semaphore(%dma_wait3A_427 : memref<!tpu.dma_semaphore, #tpu.memory_space<semaphore_mem>>) src(%dma_wait3A_431 : memref<160xi32, #tpu.memory_space<hbm>>) dst(%dma_wait3A_429 : memref<160xi32, #tpu.memory_space<vmem>>)
        %scan3A_432 = arith.constant 0 : i32
        %scan3A_433 = arith.constant 0 : i32
        %scan3A_434 = arith.constant 10 : i32
        %scan3A_435 = arith.addi %scan3A_433, %scan3A_434 : i32
        %scan3A_436 = arith.constant 1 : i32
        scf.for %scan3A_472 = %scan3A_433 to %scan3A_435 step %scan3A_436  : i32 {
          %mul3A_473 = arith.constant 16 : i32
          %mul3A_474 = arith.muli %scan3A_472, %mul3A_473 : i32
          %add3A_475 = arith.constant 640 : i32
          %add3A_476 = arith.addi %add3A_475, %mul3A_474 : i32
          %get3A = arith.index_cast %add3A_476 : i32 to index
          %get3A_477 = tpu.vector_load %arg7[%get3A] {strides = array<i32>} : memref<800xi32, #tpu.memory_space<vmem>>, vector<16xi32>,
          %get3A_478 = vector.shape_cast %get3A_477 : vector<16xi32> to vector<16xi32>
          %get3A_479 = arith.index_cast %add3A_476 : i32 to index
          %get3A_480 = tpu.vector_load %arg8[%get3A_479] {strides = array<i32>} : memref<800xi32, #tpu.memory_space<vmem>>, vector<16xi32>,
          %get3A_481 = vector.shape_cast %get3A_480 : vector<16xi32> to vector<16xi32>
          %ne3A_482 = arith.constant 0 : i32
          %ne3A_483 = vector.broadcast %ne3A_482 : i32 to vector<16xi32>
          %ne3A_484 = arith.cmpi ne, %get3A_481, %ne3A_483 : vector<16xi32>
          %add3A_485 = arith.constant 1000 : i32
          %add3A_486 = vector.broadcast %add3A_485 : i32 to vector<16xi32>
          %add3A_487 = arith.addi %get3A_478, %add3A_486 : vector<16xi32>
          %select_n3A_488 = arith.select %ne3A_484, %get3A_478, %add3A_487 : vector<16xi1>, vector<16xi32>
          %swap3A = arith.index_cast %add3A_476 : i32 to index
          %swap3A_489 = tpu.vector_load %arg9[%swap3A] {strides = array<i32>} : memref<800xi32, #tpu.memory_space<vmem>>, vector<16xi32>,
          %swap3A_490 = vector.shape_cast %swap3A_489 : vector<16xi32> to vector<16xi32>
          %swap3A_491 = vector.shape_cast %select_n3A_488 : vector<16xi32> to vector<16xi32>
          tpu.vector_store %arg9[%swap3A], %swap3A_491 {strides = array<i32>} : memref<800xi32, #tpu.memory_space<vmem>>, vector<16xi32>,
        }
        %scan3A_437 = arith.constant 10 : i32
        %dma_wait3A_438 = arith.constant 4 : i32
        %dma_wait3A_439 = arith.constant 4 : i32
        %dma_wait3A_440 = arith.constant 0 : i32
        %dma_wait3A_441 = arith.constant 0 : i32
        %dma_wait3A_442 = tpu.memref_slice %arg10[%dma_wait3A_438, %dma_wait3A_440, %dma_wait3A_441] : memref<5x160x128xf32, #tpu.memory_space<vmem>> -> memref<1x160x128xf32, #tpu.memory_space<vmem>>
        %dma_wait3A_443 = tpu.memref_squeeze %dma_wait3A_442 : memref<1x160x128xf32, #tpu.memory_space<vmem>> -> memref<160x128xf32, #tpu.memory_space<vmem>>
        %dma_wait3A_444 = arith.constant 0 : i32
        %dma_wait3A_445 = arith.constant 0 : i32
        %dma_wait3A_446 = tpu.memref_slice %arg2[%dma_wait3A_444, %dma_wait3A_445] : memref<100000x128xf32, #tpu.memory_space<hbm>> -> memref<160x128xf32, #tpu.memory_space<hbm>>
        %dma_wait3A_447 = tpu.memref_slice %arg12[%dma_wait3A_439] : memref<5x!tpu.dma_semaphore, #tpu.memory_space<semaphore_mem>> -> memref<1x!tpu.dma_semaphore, #tpu.memory_space<semaphore_mem>>
        %dma_wait3A_448 = tpu.memref_squeeze %dma_wait3A_447 : memref<1x!tpu.dma_semaphore, #tpu.memory_space<semaphore_mem>> -> memref<!tpu.dma_semaphore, #tpu.memory_space<semaphore_mem>>
        %dma_wait3A_449 = arith.constant 0 : i32
        %dma_wait3A_450 = arith.constant 0 : i32
        %dma_wait3A_451 = tpu.memref_slice %arg10[%dma_wait3A_438, %dma_wait3A_449, %dma_wait3A_450] : memref<5x160x128xf32, #tpu.memory_space<vmem>> -> memref<1x160x128xf32, #tpu.memory_space<vmem>>
        %dma_wait3A_452 = tpu.memref_squeeze %dma_wait3A_451 : memref<1x160x128xf32, #tpu.memory_space<vmem>> -> memref<160x128xf32, #tpu.memory_space<vmem>>
        %dma_wait3A_453 = arith.constant 0 : i32
        %dma_wait3A_454 = arith.constant 0 : i32
        %dma_wait3A_455 = tpu.memref_slice %arg2[%dma_wait3A_453, %dma_wait3A_454] : memref<100000x128xf32, #tpu.memory_space<hbm>> -> memref<160x128xf32, #tpu.memory_space<hbm>>
        tpu.wait_dma2 semaphore(%dma_wait3A_448 : memref<!tpu.dma_semaphore, #tpu.memory_space<semaphore_mem>>) src(%dma_wait3A_455 : memref<160x128xf32, #tpu.memory_space<hbm>>) dst(%dma_wait3A_452 : memref<160x128xf32, #tpu.memory_space<vmem>>)
        %dma_start3A_456 = arith.constant 4 : i32
        %dma_start3A_457 = arith.constant 4 : i32
        %dma_start3A_458 = arith.constant 0 : i32
        %dma_start3A_459 = arith.constant 0 : i32
        %dma_start3A_460 = tpu.memref_slice %arg10[%dma_start3A_456, %dma_start3A_458, %dma_start3A_459] : memref<5x160x128xf32, #tpu.memory_space<vmem>> -> memref<1x160x128xf32, #tpu.memory_space<vmem>>
        %dma_start3A_461 = tpu.memref_squeeze %dma_start3A_460 : memref<1x160x128xf32, #tpu.memory_space<vmem>> -> memref<160x128xf32, #tpu.memory_space<vmem>>
        %dma_start3A_462 = arith.constant 0 : i32
        %dma_start3A_463 = arith.constant 0 : i32
        %dma_start3A_464 = tpu.memref_slice %dma_start3A_461[%dma_start3A_462, %dma_start3A_463] : memref<160x128xf32, #tpu.memory_space<vmem>> -> memref<160x128xf32, #tpu.memory_space<vmem>>
        %dma_start3A_465 = arith.constant 640 : i32
        %dma_start3A_466 = tpu.memref_slice %arg9[%dma_start3A_465] : memref<800xi32, #tpu.memory_space<vmem>> -> memref<160xi32, #tpu.memory_space<vmem>>
        %dma_start3A_467 = arith.constant 0 : i32
        %dma_start3A_468 = arith.constant 0 : i32
        %dma_start3A_469 = tpu.memref_slice %arg11[%dma_start3A_467, %dma_start3A_468] : memref<2048x128xf32, #tpu.memory_space<vmem_shared>> -> memref<2048x128xf32, #tpu.memory_space<vmem_shared>>
        %dma_start3A_470 = tpu.memref_slice %arg14[%dma_start3A_457] : memref<5x!tpu.dma_semaphore, #tpu.memory_space<semaphore_mem>> -> memref<1x!tpu.dma_semaphore, #tpu.memory_space<semaphore_mem>>
        %dma_start3A_471 = tpu.memref_squeeze %dma_start3A_470 : memref<1x!tpu.dma_semaphore, #tpu.memory_space<semaphore_mem>> -> memref<!tpu.dma_semaphore, #tpu.memory_space<semaphore_mem>>
        tpu.enqueue_indirect_dma source(%dma_start3A_469 : memref<2048x128xf32, #tpu.memory_space<vmem_shared>>) target(%dma_start3A_464 : memref<160x128xf32, #tpu.memory_space<vmem>>) offsets(%dma_start3A_466 : memref<160xi32, #tpu.memory_space<vmem>>) semaphore(%dma_start3A_471 : memref<!tpu.dma_semaphore, #tpu.memory_space<semaphore_mem>>) {add = true}
      } else {
      }
      %add3A_340 = arith.constant 0 : i32
      %add3A_341 = arith.addi %mul3A_312, %add3A_340 : i32
      %lt3A_342 = arith.cmpi slt, %add3A_341, %select_n3A : i32
      %convert_element_type3A_343 = arith.extui %lt3A_342 : i1 to i32
      %cond3A_344 = arith.constant 0 : i32
      %cond3A_345 = arith.cmpi ne, %convert_element_type3A_343, %cond3A_344 : i32
      scf.if %cond3A_345 {
        %mul3A_410 = arith.constant 32 : i32
        %mul3A_411 = arith.muli %add3A_341, %mul3A_410 : i32
        %add3A_412 = arith.addi %add3A, %mul3A_411 : i32
        %mul3A_413 = arith.constant 160 : i32
        %mul3A_414 = arith.muli %add3A_412, %mul3A_413 : i32
        %dma_wait3A_415 = arith.constant 0 : i32
        %dma_wait3A_416 = arith.constant 0 : i32
        %dma_wait3A_417 = arith.constant 0 : i32
        %dma_wait3A_418 = arith.constant 0 : i32
        %dma_wait3A_419 = tpu.memref_slice %arg10[%dma_wait3A_415, %dma_wait3A_417, %dma_wait3A_418] : memref<5x160x128xf32, #tpu.memory_space<vmem>> -> memref<1x160x128xf32, #tpu.memory_space<vmem>>
        %dma_wait3A_420 = tpu.memref_squeeze %dma_wait3A_419 : memref<1x160x128xf32, #tpu.memory_space<vmem>> -> memref<160x128xf32, #tpu.memory_space<vmem>>
        %dma_wait3A_421 = arith.constant 0 : i32
        %dma_wait3A_422 = arith.constant 0 : i32
        %dma_wait3A_423 = tpu.memref_slice %dma_wait3A_420[%dma_wait3A_421, %dma_wait3A_422] : memref<160x128xf32, #tpu.memory_space<vmem>> -> memref<160x128xf32, #tpu.memory_space<vmem>>
        %dma_wait3A_424 = arith.constant 0 : i32
        %dma_wait3A_425 = tpu.memref_slice %arg9[%dma_wait3A_424] : memref<800xi32, #tpu.memory_space<vmem>> -> memref<160xi32, #tpu.memory_space<vmem>>
        %dma_wait3A_426 = arith.constant 0 : i32
        %dma_wait3A_427 = arith.constant 0 : i32
        %dma_wait3A_428 = tpu.memref_slice %arg11[%dma_wait3A_426, %dma_wait3A_427] : memref<2048x128xf32, #tpu.memory_space<vmem_shared>> -> memref<2048x128xf32, #tpu.memory_space<vmem_shared>>
        %dma_wait3A_429 = tpu.memref_slice %arg14[%dma_wait3A_416] : memref<5x!tpu.dma_semaphore, #tpu.memory_space<semaphore_mem>> -> memref<1x!tpu.dma_semaphore, #tpu.memory_space<semaphore_mem>>
        %dma_wait3A_430 = tpu.memref_squeeze %dma_wait3A_429 : memref<1x!tpu.dma_semaphore, #tpu.memory_space<semaphore_mem>> -> memref<!tpu.dma_semaphore, #tpu.memory_space<semaphore_mem>>
        tpu.wait_indirect_dma semaphore(%dma_wait3A_430 : memref<!tpu.dma_semaphore, #tpu.memory_space<semaphore_mem>>) src(%dma_wait3A_428 : memref<2048x128xf32, #tpu.memory_space<vmem_shared>>) dst(%dma_wait3A_423 : memref<160x128xf32, #tpu.memory_space<vmem>>)
        %dma_start3A_431 = arith.constant 0 : i32
        %dma_start3A_432 = arith.constant 0 : i32
        %dma_start3A_433 = arith.constant 0 : i32
        %dma_start3A_434 = arith.constant 0 : i32
        %dma_start3A_435 = tpu.memref_slice %arg10[%dma_start3A_431, %dma_start3A_433, %dma_start3A_434] : memref<5x160x128xf32, #tpu.memory_space<vmem>> -> memref<1x160x128xf32, #tpu.memory_space<vmem>>
        %dma_start3A_436 = tpu.memref_squeeze %dma_start3A_435 : memref<1x160x128xf32, #tpu.memory_space<vmem>> -> memref<160x128xf32, #tpu.memory_space<vmem>>
        %dma_start3A_437 = arith.constant 0 : i32
        %dma_start3A_438 = tpu.memref_slice %arg6[%mul3A_414, %dma_start3A_437] : memref<100000x128xf32, #tpu.memory_space<hbm>> -> memref<160x128xf32, #tpu.memory_space<hbm>>
        %dma_start3A_439 = tpu.memref_slice %arg15[%dma_start3A_432] : memref<5x!tpu.dma_semaphore, #tpu.memory_space<semaphore_mem>> -> memref<1x!tpu.dma_semaphore, #tpu.memory_space<semaphore_mem>>
        %dma_start3A_440 = tpu.memref_squeeze %dma_start3A_439 : memref<1x!tpu.dma_semaphore, #tpu.memory_space<semaphore_mem>> -> memref<!tpu.dma_semaphore, #tpu.memory_space<semaphore_mem>>
        %dma_start3A_441 = arith.constant 0 : i32
        %dma_start3A_442 = tpu.memref_slice %arg6[%mul3A_414, %dma_start3A_441] : memref<100000x128xf32, #tpu.memory_space<hbm>> -> memref<160x128xf32, #tpu.memory_space<hbm>>
        %dma_start3A_443 = arith.constant 0 : i32
        %dma_start3A_444 = arith.constant 0 : i32
        %dma_start3A_445 = tpu.memref_slice %arg10[%dma_start3A_431, %dma_start3A_443, %dma_start3A_444] : memref<5x160x128xf32, #tpu.memory_space<vmem>> -> memref<1x160x128xf32, #tpu.memory_space<vmem>>
        %dma_start3A_446 = tpu.memref_squeeze %dma_start3A_445 : memref<1x160x128xf32, #tpu.memory_space<vmem>> -> memref<160x128xf32, #tpu.memory_space<vmem>>
        tpu.enqueue_dma source(%dma_start3A_446 : memref<160x128xf32, #tpu.memory_space<vmem>>) target(%dma_start3A_442 : memref<160x128xf32, #tpu.memory_space<hbm>>) target_semaphore(%dma_start3A_440 : memref<!tpu.dma_semaphore, #tpu.memory_space<semaphore_mem>>)
      } else {
      }
      %add3A_346 = arith.constant 1 : i32
      %add3A_347 = arith.addi %mul3A_312, %add3A_346 : i32
      %lt3A_348 = arith.cmpi slt, %add3A_347, %select_n3A : i32
      %convert_element_type3A_349 = arith.extui %lt3A_348 : i1 to i32
      %cond3A_350 = arith.constant 0 : i32
      %cond3A_351 = arith.cmpi ne, %convert_element_type3A_349, %cond3A_350 : i32
      scf.if %cond3A_351 {
        %mul3A_410 = arith.constant 32 : i32
        %mul3A_411 = arith.muli %add3A_347, %mul3A_410 : i32
        %add3A_412 = arith.addi %add3A, %mul3A_411 : i32
        %mul3A_413 = arith.constant 160 : i32
        %mul3A_414 = arith.muli %add3A_412, %mul3A_413 : i32
        %dma_wait3A_415 = arith.constant 1 : i32
        %dma_wait3A_416 = arith.constant 1 : i32
        %dma_wait3A_417 = arith.constant 0 : i32
        %dma_wait3A_418 = arith.constant 0 : i32
        %dma_wait3A_419 = tpu.memref_slice %arg10[%dma_wait3A_415, %dma_wait3A_417, %dma_wait3A_418] : memref<5x160x128xf32, #tpu.memory_space<vmem>> -> memref<1x160x128xf32, #tpu.memory_space<vmem>>
        %dma_wait3A_420 = tpu.memref_squeeze %dma_wait3A_419 : memref<1x160x128xf32, #tpu.memory_space<vmem>> -> memref<160x128xf32, #tpu.memory_space<vmem>>
        %dma_wait3A_421 = arith.constant 0 : i32
        %dma_wait3A_422 = arith.constant 0 : i32
        %dma_wait3A_423 = tpu.memref_slice %dma_wait3A_420[%dma_wait3A_421, %dma_wait3A_422] : memref<160x128xf32, #tpu.memory_space<vmem>> -> memref<160x128xf32, #tpu.memory_space<vmem>>
        %dma_wait3A_424 = arith.constant 160 : i32
        %dma_wait3A_425 = tpu.memref_slice %arg9[%dma_wait3A_424] : memref<800xi32, #tpu.memory_space<vmem>> -> memref<160xi32, #tpu.memory_space<vmem>>
        %dma_wait3A_426 = arith.constant 0 : i32
        %dma_wait3A_427 = arith.constant 0 : i32
        %dma_wait3A_428 = tpu.memref_slice %arg11[%dma_wait3A_426, %dma_wait3A_427] : memref<2048x128xf32, #tpu.memory_space<vmem_shared>> -> memref<2048x128xf32, #tpu.memory_space<vmem_shared>>
        %dma_wait3A_429 = tpu.memref_slice %arg14[%dma_wait3A_416] : memref<5x!tpu.dma_semaphore, #tpu.memory_space<semaphore_mem>> -> memref<1x!tpu.dma_semaphore, #tpu.memory_space<semaphore_mem>>
        %dma_wait3A_430 = tpu.memref_squeeze %dma_wait3A_429 : memref<1x!tpu.dma_semaphore, #tpu.memory_space<semaphore_mem>> -> memref<!tpu.dma_semaphore, #tpu.memory_space<semaphore_mem>>
        tpu.wait_indirect_dma semaphore(%dma_wait3A_430 : memref<!tpu.dma_semaphore, #tpu.memory_space<semaphore_mem>>) src(%dma_wait3A_428 : memref<2048x128xf32, #tpu.memory_space<vmem_shared>>) dst(%dma_wait3A_423 : memref<160x128xf32, #tpu.memory_space<vmem>>)
        %dma_start3A_431 = arith.constant 1 : i32
        %dma_start3A_432 = arith.constant 1 : i32
        %dma_start3A_433 = arith.constant 0 : i32
        %dma_start3A_434 = arith.constant 0 : i32
        %dma_start3A_435 = tpu.memref_slice %arg10[%dma_start3A_431, %dma_start3A_433, %dma_start3A_434] : memref<5x160x128xf32, #tpu.memory_space<vmem>> -> memref<1x160x128xf32, #tpu.memory_space<vmem>>
        %dma_start3A_436 = tpu.memref_squeeze %dma_start3A_435 : memref<1x160x128xf32, #tpu.memory_space<vmem>> -> memref<160x128xf32, #tpu.memory_space<vmem>>
        %dma_start3A_437 = arith.constant 0 : i32
        %dma_start3A_438 = tpu.memref_slice %arg6[%mul3A_414, %dma_start3A_437] : memref<100000x128xf32, #tpu.memory_space<hbm>> -> memref<160x128xf32, #tpu.memory_space<hbm>>
        %dma_start3A_439 = tpu.memref_slice %arg15[%dma_start3A_432] : memref<5x!tpu.dma_semaphore, #tpu.memory_space<semaphore_mem>> -> memref<1x!tpu.dma_semaphore, #tpu.memory_space<semaphore_mem>>
        %dma_start3A_440 = tpu.memref_squeeze %dma_start3A_439 : memref<1x!tpu.dma_semaphore, #tpu.memory_space<semaphore_mem>> -> memref<!tpu.dma_semaphore, #tpu.memory_space<semaphore_mem>>
        %dma_start3A_441 = arith.constant 0 : i32
        %dma_start3A_442 = tpu.memref_slice %arg6[%mul3A_414, %dma_start3A_441] : memref<100000x128xf32, #tpu.memory_space<hbm>> -> memref<160x128xf32, #tpu.memory_space<hbm>>
        %dma_start3A_443 = arith.constant 0 : i32
        %dma_start3A_444 = arith.constant 0 : i32
        %dma_start3A_445 = tpu.memref_slice %arg10[%dma_start3A_431, %dma_start3A_443, %dma_start3A_444] : memref<5x160x128xf32, #tpu.memory_space<vmem>> -> memref<1x160x128xf32, #tpu.memory_space<vmem>>
        %dma_start3A_446 = tpu.memref_squeeze %dma_start3A_445 : memref<1x160x128xf32, #tpu.memory_space<vmem>> -> memref<160x128xf32, #tpu.memory_space<vmem>>
        tpu.enqueue_dma source(%dma_start3A_446 : memref<160x128xf32, #tpu.memory_space<vmem>>) target(%dma_start3A_442 : memref<160x128xf32, #tpu.memory_space<hbm>>) target_semaphore(%dma_start3A_440 : memref<!tpu.dma_semaphore, #tpu.memory_space<semaphore_mem>>)
      } else {
      }
      %add3A_352 = arith.constant 2 : i32
      %add3A_353 = arith.addi %mul3A_312, %add3A_352 : i32
      %lt3A_354 = arith.cmpi slt, %add3A_353, %select_n3A : i32
      %convert_element_type3A_355 = arith.extui %lt3A_354 : i1 to i32
      %cond3A_356 = arith.constant 0 : i32
      %cond3A_357 = arith.cmpi ne, %convert_element_type3A_355, %cond3A_356 : i32
      scf.if %cond3A_357 {
        %mul3A_410 = arith.constant 32 : i32
        %mul3A_411 = arith.muli %add3A_353, %mul3A_410 : i32
        %add3A_412 = arith.addi %add3A, %mul3A_411 : i32
        %mul3A_413 = arith.constant 160 : i32
        %mul3A_414 = arith.muli %add3A_412, %mul3A_413 : i32
        %dma_wait3A_415 = arith.constant 2 : i32
        %dma_wait3A_416 = arith.constant 2 : i32
        %dma_wait3A_417 = arith.constant 0 : i32
        %dma_wait3A_418 = arith.constant 0 : i32
        %dma_wait3A_419 = tpu.memref_slice %arg10[%dma_wait3A_415, %dma_wait3A_417, %dma_wait3A_418] : memref<5x160x128xf32, #tpu.memory_space<vmem>> -> memref<1x160x128xf32, #tpu.memory_space<vmem>>
        %dma_wait3A_420 = tpu.memref_squeeze %dma_wait3A_419 : memref<1x160x128xf32, #tpu.memory_space<vmem>> -> memref<160x128xf32, #tpu.memory_space<vmem>>
        %dma_wait3A_421 = arith.constant 0 : i32
        %dma_wait3A_422 = arith.constant 0 : i32
        %dma_wait3A_423 = tpu.memref_slice %dma_wait3A_420[%dma_wait3A_421, %dma_wait3A_422] : memref<160x128xf32, #tpu.memory_space<vmem>> -> memref<160x128xf32, #tpu.memory_space<vmem>>
        %dma_wait3A_424 = arith.constant 320 : i32
        %dma_wait3A_425 = tpu.memref_slice %arg9[%dma_wait3A_424] : memref<800xi32, #tpu.memory_space<vmem>> -> memref<160xi32, #tpu.memory_space<vmem>>
        %dma_wait3A_426 = arith.constant 0 : i32
        %dma_wait3A_427 = arith.constant 0 : i32
        %dma_wait3A_428 = tpu.memref_slice %arg11[%dma_wait3A_426, %dma_wait3A_427] : memref<2048x128xf32, #tpu.memory_space<vmem_shared>> -> memref<2048x128xf32, #tpu.memory_space<vmem_shared>>
        %dma_wait3A_429 = tpu.memref_slice %arg14[%dma_wait3A_416] : memref<5x!tpu.dma_semaphore, #tpu.memory_space<semaphore_mem>> -> memref<1x!tpu.dma_semaphore, #tpu.memory_space<semaphore_mem>>
        %dma_wait3A_430 = tpu.memref_squeeze %dma_wait3A_429 : memref<1x!tpu.dma_semaphore, #tpu.memory_space<semaphore_mem>> -> memref<!tpu.dma_semaphore, #tpu.memory_space<semaphore_mem>>
        tpu.wait_indirect_dma semaphore(%dma_wait3A_430 : memref<!tpu.dma_semaphore, #tpu.memory_space<semaphore_mem>>) src(%dma_wait3A_428 : memref<2048x128xf32, #tpu.memory_space<vmem_shared>>) dst(%dma_wait3A_423 : memref<160x128xf32, #tpu.memory_space<vmem>>)
        %dma_start3A_431 = arith.constant 2 : i32
        %dma_start3A_432 = arith.constant 2 : i32
        %dma_start3A_433 = arith.constant 0 : i32
        %dma_start3A_434 = arith.constant 0 : i32
        %dma_start3A_435 = tpu.memref_slice %arg10[%dma_start3A_431, %dma_start3A_433, %dma_start3A_434] : memref<5x160x128xf32, #tpu.memory_space<vmem>> -> memref<1x160x128xf32, #tpu.memory_space<vmem>>
        %dma_start3A_436 = tpu.memref_squeeze %dma_start3A_435 : memref<1x160x128xf32, #tpu.memory_space<vmem>> -> memref<160x128xf32, #tpu.memory_space<vmem>>
        %dma_start3A_437 = arith.constant 0 : i32
        %dma_start3A_438 = tpu.memref_slice %arg6[%mul3A_414, %dma_start3A_437] : memref<100000x128xf32, #tpu.memory_space<hbm>> -> memref<160x128xf32, #tpu.memory_space<hbm>>
        %dma_start3A_439 = tpu.memref_slice %arg15[%dma_start3A_432] : memref<5x!tpu.dma_semaphore, #tpu.memory_space<semaphore_mem>> -> memref<1x!tpu.dma_semaphore, #tpu.memory_space<semaphore_mem>>
        %dma_start3A_440 = tpu.memref_squeeze %dma_start3A_439 : memref<1x!tpu.dma_semaphore, #tpu.memory_space<semaphore_mem>> -> memref<!tpu.dma_semaphore, #tpu.memory_space<semaphore_mem>>
        %dma_start3A_441 = arith.constant 0 : i32
        %dma_start3A_442 = tpu.memref_slice %arg6[%mul3A_414, %dma_start3A_441] : memref<100000x128xf32, #tpu.memory_space<hbm>> -> memref<160x128xf32, #tpu.memory_space<hbm>>
        %dma_start3A_443 = arith.constant 0 : i32
        %dma_start3A_444 = arith.constant 0 : i32
        %dma_start3A_445 = tpu.memref_slice %arg10[%dma_start3A_431, %dma_start3A_443, %dma_start3A_444] : memref<5x160x128xf32, #tpu.memory_space<vmem>> -> memref<1x160x128xf32, #tpu.memory_space<vmem>>
        %dma_start3A_446 = tpu.memref_squeeze %dma_start3A_445 : memref<1x160x128xf32, #tpu.memory_space<vmem>> -> memref<160x128xf32, #tpu.memory_space<vmem>>
        tpu.enqueue_dma source(%dma_start3A_446 : memref<160x128xf32, #tpu.memory_space<vmem>>) target(%dma_start3A_442 : memref<160x128xf32, #tpu.memory_space<hbm>>) target_semaphore(%dma_start3A_440 : memref<!tpu.dma_semaphore, #tpu.memory_space<semaphore_mem>>)
      } else {
      }
      %add3A_358 = arith.constant 3 : i32
      %add3A_359 = arith.addi %mul3A_312, %add3A_358 : i32
      %lt3A_360 = arith.cmpi slt, %add3A_359, %select_n3A : i32
      %convert_element_type3A_361 = arith.extui %lt3A_360 : i1 to i32
      %cond3A_362 = arith.constant 0 : i32
      %cond3A_363 = arith.cmpi ne, %convert_element_type3A_361, %cond3A_362 : i32
      scf.if %cond3A_363 {
        %mul3A_410 = arith.constant 32 : i32
        %mul3A_411 = arith.muli %add3A_359, %mul3A_410 : i32
        %add3A_412 = arith.addi %add3A, %mul3A_411 : i32
        %mul3A_413 = arith.constant 160 : i32
        %mul3A_414 = arith.muli %add3A_412, %mul3A_413 : i32
        %dma_wait3A_415 = arith.constant 3 : i32
        %dma_wait3A_416 = arith.constant 3 : i32
        %dma_wait3A_417 = arith.constant 0 : i32
        %dma_wait3A_418 = arith.constant 0 : i32
        %dma_wait3A_419 = tpu.memref_slice %arg10[%dma_wait3A_415, %dma_wait3A_417, %dma_wait3A_418] : memref<5x160x128xf32, #tpu.memory_space<vmem>> -> memref<1x160x128xf32, #tpu.memory_space<vmem>>
        %dma_wait3A_420 = tpu.memref_squeeze %dma_wait3A_419 : memref<1x160x128xf32, #tpu.memory_space<vmem>> -> memref<160x128xf32, #tpu.memory_space<vmem>>
        %dma_wait3A_421 = arith.constant 0 : i32
        %dma_wait3A_422 = arith.constant 0 : i32
        %dma_wait3A_423 = tpu.memref_slice %dma_wait3A_420[%dma_wait3A_421, %dma_wait3A_422] : memref<160x128xf32, #tpu.memory_space<vmem>> -> memref<160x128xf32, #tpu.memory_space<vmem>>
        %dma_wait3A_424 = arith.constant 480 : i32
        %dma_wait3A_425 = tpu.memref_slice %arg9[%dma_wait3A_424] : memref<800xi32, #tpu.memory_space<vmem>> -> memref<160xi32, #tpu.memory_space<vmem>>
        %dma_wait3A_426 = arith.constant 0 : i32
        %dma_wait3A_427 = arith.constant 0 : i32
        %dma_wait3A_428 = tpu.memref_slice %arg11[%dma_wait3A_426, %dma_wait3A_427] : memref<2048x128xf32, #tpu.memory_space<vmem_shared>> -> memref<2048x128xf32, #tpu.memory_space<vmem_shared>>
        %dma_wait3A_429 = tpu.memref_slice %arg14[%dma_wait3A_416] : memref<5x!tpu.dma_semaphore, #tpu.memory_space<semaphore_mem>> -> memref<1x!tpu.dma_semaphore, #tpu.memory_space<semaphore_mem>>
        %dma_wait3A_430 = tpu.memref_squeeze %dma_wait3A_429 : memref<1x!tpu.dma_semaphore, #tpu.memory_space<semaphore_mem>> -> memref<!tpu.dma_semaphore, #tpu.memory_space<semaphore_mem>>
        tpu.wait_indirect_dma semaphore(%dma_wait3A_430 : memref<!tpu.dma_semaphore, #tpu.memory_space<semaphore_mem>>) src(%dma_wait3A_428 : memref<2048x128xf32, #tpu.memory_space<vmem_shared>>) dst(%dma_wait3A_423 : memref<160x128xf32, #tpu.memory_space<vmem>>)
        %dma_start3A_431 = arith.constant 3 : i32
        %dma_start3A_432 = arith.constant 3 : i32
        %dma_start3A_433 = arith.constant 0 : i32
        %dma_start3A_434 = arith.constant 0 : i32
        %dma_start3A_435 = tpu.memref_slice %arg10[%dma_start3A_431, %dma_start3A_433, %dma_start3A_434] : memref<5x160x128xf32, #tpu.memory_space<vmem>> -> memref<1x160x128xf32, #tpu.memory_space<vmem>>
        %dma_start3A_436 = tpu.memref_squeeze %dma_start3A_435 : memref<1x160x128xf32, #tpu.memory_space<vmem>> -> memref<160x128xf32, #tpu.memory_space<vmem>>
        %dma_start3A_437 = arith.constant 0 : i32
        %dma_start3A_438 = tpu.memref_slice %arg6[%mul3A_414, %dma_start3A_437] : memref<100000x128xf32, #tpu.memory_space<hbm>> -> memref<160x128xf32, #tpu.memory_space<hbm>>
        %dma_start3A_439 = tpu.memref_slice %arg15[%dma_start3A_432] : memref<5x!tpu.dma_semaphore, #tpu.memory_space<semaphore_mem>> -> memref<1x!tpu.dma_semaphore, #tpu.memory_space<semaphore_mem>>
        %dma_start3A_440 = tpu.memref_squeeze %dma_start3A_439 : memref<1x!tpu.dma_semaphore, #tpu.memory_space<semaphore_mem>> -> memref<!tpu.dma_semaphore, #tpu.memory_space<semaphore_mem>>
        %dma_start3A_441 = arith.constant 0 : i32
        %dma_start3A_442 = tpu.memref_slice %arg6[%mul3A_414, %dma_start3A_441] : memref<100000x128xf32, #tpu.memory_space<hbm>> -> memref<160x128xf32, #tpu.memory_space<hbm>>
        %dma_start3A_443 = arith.constant 0 : i32
        %dma_start3A_444 = arith.constant 0 : i32
        %dma_start3A_445 = tpu.memref_slice %arg10[%dma_start3A_431, %dma_start3A_443, %dma_start3A_444] : memref<5x160x128xf32, #tpu.memory_space<vmem>> -> memref<1x160x128xf32, #tpu.memory_space<vmem>>
        %dma_start3A_446 = tpu.memref_squeeze %dma_start3A_445 : memref<1x160x128xf32, #tpu.memory_space<vmem>> -> memref<160x128xf32, #tpu.memory_space<vmem>>
        tpu.enqueue_dma source(%dma_start3A_446 : memref<160x128xf32, #tpu.memory_space<vmem>>) target(%dma_start3A_442 : memref<160x128xf32, #tpu.memory_space<hbm>>) target_semaphore(%dma_start3A_440 : memref<!tpu.dma_semaphore, #tpu.memory_space<semaphore_mem>>)
      } else {
      }
      %add3A_364 = arith.constant 4 : i32
      %add3A_365 = arith.addi %mul3A_312, %add3A_364 : i32
      %lt3A_366 = arith.cmpi slt, %add3A_365, %select_n3A : i32
      %convert_element_type3A_367 = arith.extui %lt3A_366 : i1 to i32
      %cond3A_368 = arith.constant 0 : i32
      %cond3A_369 = arith.cmpi ne, %convert_element_type3A_367, %cond3A_368 : i32
      scf.if %cond3A_369 {
        %mul3A_410 = arith.constant 32 : i32
        %mul3A_411 = arith.muli %add3A_365, %mul3A_410 : i32
        %add3A_412 = arith.addi %add3A, %mul3A_411 : i32
        %mul3A_413 = arith.constant 160 : i32
        %mul3A_414 = arith.muli %add3A_412, %mul3A_413 : i32
        %dma_wait3A_415 = arith.constant 4 : i32
        %dma_wait3A_416 = arith.constant 4 : i32
        %dma_wait3A_417 = arith.constant 0 : i32
        %dma_wait3A_418 = arith.constant 0 : i32
        %dma_wait3A_419 = tpu.memref_slice %arg10[%dma_wait3A_415, %dma_wait3A_417, %dma_wait3A_418] : memref<5x160x128xf32, #tpu.memory_space<vmem>> -> memref<1x160x128xf32, #tpu.memory_space<vmem>>
        %dma_wait3A_420 = tpu.memref_squeeze %dma_wait3A_419 : memref<1x160x128xf32, #tpu.memory_space<vmem>> -> memref<160x128xf32, #tpu.memory_space<vmem>>
        %dma_wait3A_421 = arith.constant 0 : i32
        %dma_wait3A_422 = arith.constant 0 : i32
        %dma_wait3A_423 = tpu.memref_slice %dma_wait3A_420[%dma_wait3A_421, %dma_wait3A_422] : memref<160x128xf32, #tpu.memory_space<vmem>> -> memref<160x128xf32, #tpu.memory_space<vmem>>
        %dma_wait3A_424 = arith.constant 640 : i32
        %dma_wait3A_425 = tpu.memref_slice %arg9[%dma_wait3A_424] : memref<800xi32, #tpu.memory_space<vmem>> -> memref<160xi32, #tpu.memory_space<vmem>>
        %dma_wait3A_426 = arith.constant 0 : i32
        %dma_wait3A_427 = arith.constant 0 : i32
        %dma_wait3A_428 = tpu.memref_slice %arg11[%dma_wait3A_426, %dma_wait3A_427] : memref<2048x128xf32, #tpu.memory_space<vmem_shared>> -> memref<2048x128xf32, #tpu.memory_space<vmem_shared>>
        %dma_wait3A_429 = tpu.memref_slice %arg14[%dma_wait3A_416] : memref<5x!tpu.dma_semaphore, #tpu.memory_space<semaphore_mem>> -> memref<1x!tpu.dma_semaphore, #tpu.memory_space<semaphore_mem>>
        %dma_wait3A_430 = tpu.memref_squeeze %dma_wait3A_429 : memref<1x!tpu.dma_semaphore, #tpu.memory_space<semaphore_mem>> -> memref<!tpu.dma_semaphore, #tpu.memory_space<semaphore_mem>>
        tpu.wait_indirect_dma semaphore(%dma_wait3A_430 : memref<!tpu.dma_semaphore, #tpu.memory_space<semaphore_mem>>) src(%dma_wait3A_428 : memref<2048x128xf32, #tpu.memory_space<vmem_shared>>) dst(%dma_wait3A_423 : memref<160x128xf32, #tpu.memory_space<vmem>>)
        %dma_start3A_431 = arith.constant 4 : i32
        %dma_start3A_432 = arith.constant 4 : i32
        %dma_start3A_433 = arith.constant 0 : i32
        %dma_start3A_434 = arith.constant 0 : i32
        %dma_start3A_435 = tpu.memref_slice %arg10[%dma_start3A_431, %dma_start3A_433, %dma_start3A_434] : memref<5x160x128xf32, #tpu.memory_space<vmem>> -> memref<1x160x128xf32, #tpu.memory_space<vmem>>
        %dma_start3A_436 = tpu.memref_squeeze %dma_start3A_435 : memref<1x160x128xf32, #tpu.memory_space<vmem>> -> memref<160x128xf32, #tpu.memory_space<vmem>>
        %dma_start3A_437 = arith.constant 0 : i32
        %dma_start3A_438 = tpu.memref_slice %arg6[%mul3A_414, %dma_start3A_437] : memref<100000x128xf32, #tpu.memory_space<hbm>> -> memref<160x128xf32, #tpu.memory_space<hbm>>
        %dma_start3A_439 = tpu.memref_slice %arg15[%dma_start3A_432] : memref<5x!tpu.dma_semaphore, #tpu.memory_space<semaphore_mem>> -> memref<1x!tpu.dma_semaphore, #tpu.memory_space<semaphore_mem>>
        %dma_start3A_440 = tpu.memref_squeeze %dma_start3A_439 : memref<1x!tpu.dma_semaphore, #tpu.memory_space<semaphore_mem>> -> memref<!tpu.dma_semaphore, #tpu.memory_space<semaphore_mem>>
        %dma_start3A_441 = arith.constant 0 : i32
        %dma_start3A_442 = tpu.memref_slice %arg6[%mul3A_414, %dma_start3A_441] : memref<100000x128xf32, #tpu.memory_space<hbm>> -> memref<160x128xf32, #tpu.memory_space<hbm>>
        %dma_start3A_443 = arith.constant 0 : i32
        %dma_start3A_444 = arith.constant 0 : i32
        %dma_start3A_445 = tpu.memref_slice %arg10[%dma_start3A_431, %dma_start3A_443, %dma_start3A_444] : memref<5x160x128xf32, #tpu.memory_space<vmem>> -> memref<1x160x128xf32, #tpu.memory_space<vmem>>
        %dma_start3A_446 = tpu.memref_squeeze %dma_start3A_445 : memref<1x160x128xf32, #tpu.memory_space<vmem>> -> memref<160x128xf32, #tpu.memory_space<vmem>>
        tpu.enqueue_dma source(%dma_start3A_446 : memref<160x128xf32, #tpu.memory_space<vmem>>) target(%dma_start3A_442 : memref<160x128xf32, #tpu.memory_space<hbm>>) target_semaphore(%dma_start3A_440 : memref<!tpu.dma_semaphore, #tpu.memory_space<semaphore_mem>>)
      } else {
      }
      %add3A_370 = arith.constant 0 : i32
      %add3A_371 = arith.addi %mul3A_312, %add3A_370 : i32
      %add3A_372 = arith.constant 5 : i32
      %add3A_373 = arith.addi %add3A_371, %add3A_372 : i32
      %lt3A_374 = arith.cmpi slt, %add3A_373, %select_n3A : i32
      %convert_element_type3A_375 = arith.extui %lt3A_374 : i1 to i32
      %cond3A_376 = arith.constant 0 : i32
      %cond3A_377 = arith.cmpi ne, %convert_element_type3A_375, %cond3A_376 : i32
      scf.if %cond3A_377 {
        %dma_wait3A_410 = arith.constant 0 : i32
        %dma_wait3A_411 = arith.constant 0 : i32
        %dma_wait3A_412 = arith.constant 0 : i32
        %dma_wait3A_413 = arith.constant 0 : i32
        %dma_wait3A_414 = tpu.memref_slice %arg10[%dma_wait3A_410, %dma_wait3A_412, %dma_wait3A_413] : memref<5x160x128xf32, #tpu.memory_space<vmem>> -> memref<1x160x128xf32, #tpu.memory_space<vmem>>
        %dma_wait3A_415 = tpu.memref_squeeze %dma_wait3A_414 : memref<1x160x128xf32, #tpu.memory_space<vmem>> -> memref<160x128xf32, #tpu.memory_space<vmem>>
        %dma_wait3A_416 = arith.constant 0 : i32
        %dma_wait3A_417 = arith.constant 0 : i32
        %dma_wait3A_418 = tpu.memref_slice %arg6[%dma_wait3A_416, %dma_wait3A_417] : memref<100000x128xf32, #tpu.memory_space<hbm>> -> memref<160x128xf32, #tpu.memory_space<hbm>>
        %dma_wait3A_419 = tpu.memref_slice %arg15[%dma_wait3A_411] : memref<5x!tpu.dma_semaphore, #tpu.memory_space<semaphore_mem>> -> memref<1x!tpu.dma_semaphore, #tpu.memory_space<semaphore_mem>>
        %dma_wait3A_420 = tpu.memref_squeeze %dma_wait3A_419 : memref<1x!tpu.dma_semaphore, #tpu.memory_space<semaphore_mem>> -> memref<!tpu.dma_semaphore, #tpu.memory_space<semaphore_mem>>
        %dma_wait3A_421 = arith.constant 0 : i32
        %dma_wait3A_422 = arith.constant 0 : i32
        %dma_wait3A_423 = tpu.memref_slice %arg6[%dma_wait3A_421, %dma_wait3A_422] : memref<100000x128xf32, #tpu.memory_space<hbm>> -> memref<160x128xf32, #tpu.memory_space<hbm>>
        %dma_wait3A_424 = arith.constant 0 : i32
        %dma_wait3A_425 = arith.constant 0 : i32
        %dma_wait3A_426 = tpu.memref_slice %arg10[%dma_wait3A_410, %dma_wait3A_424, %dma_wait3A_425] : memref<5x160x128xf32, #tpu.memory_space<vmem>> -> memref<1x160x128xf32, #tpu.memory_space<vmem>>
        %dma_wait3A_427 = tpu.memref_squeeze %dma_wait3A_426 : memref<1x160x128xf32, #tpu.memory_space<vmem>> -> memref<160x128xf32, #tpu.memory_space<vmem>>
        tpu.wait_dma2 semaphore(%dma_wait3A_420 : memref<!tpu.dma_semaphore, #tpu.memory_space<semaphore_mem>>) src(%dma_wait3A_427 : memref<160x128xf32, #tpu.memory_space<vmem>>) dst(%dma_wait3A_423 : memref<160x128xf32, #tpu.memory_space<hbm>>)
        %mul3A_428 = arith.constant 32 : i32
        %mul3A_429 = arith.muli %add3A_373, %mul3A_428 : i32
        %add3A_430 = arith.addi %add3A, %mul3A_429 : i32
        %mul3A_431 = arith.constant 160 : i32
        %mul3A_432 = arith.muli %add3A_430, %mul3A_431 : i32
        %dma_start3A_433 = arith.constant 0 : i32
        %dma_start3A_434 = arith.constant 0 : i32
        %dma_start3A_435 = arith.constant 0 : i32
        %dma_start3A_436 = arith.constant 0 : i32
        %dma_start3A_437 = tpu.memref_slice %arg10[%dma_start3A_433, %dma_start3A_435, %dma_start3A_436] : memref<5x160x128xf32, #tpu.memory_space<vmem>> -> memref<1x160x128xf32, #tpu.memory_space<vmem>>
        %dma_start3A_438 = tpu.memref_squeeze %dma_start3A_437 : memref<1x160x128xf32, #tpu.memory_space<vmem>> -> memref<160x128xf32, #tpu.memory_space<vmem>>
        %dma_start3A_439 = arith.constant 0 : i32
        %dma_start3A_440 = tpu.memref_slice %arg2[%mul3A_432, %dma_start3A_439] : memref<100000x128xf32, #tpu.memory_space<hbm>> -> memref<160x128xf32, #tpu.memory_space<hbm>>
        %dma_start3A_441 = tpu.memref_slice %arg12[%dma_start3A_434] : memref<5x!tpu.dma_semaphore, #tpu.memory_space<semaphore_mem>> -> memref<1x!tpu.dma_semaphore, #tpu.memory_space<semaphore_mem>>
        %dma_start3A_442 = tpu.memref_squeeze %dma_start3A_441 : memref<1x!tpu.dma_semaphore, #tpu.memory_space<semaphore_mem>> -> memref<!tpu.dma_semaphore, #tpu.memory_space<semaphore_mem>>
        %dma_start3A_443 = arith.constant 0 : i32
        %dma_start3A_444 = arith.constant 0 : i32
        %dma_start3A_445 = tpu.memref_slice %arg10[%dma_start3A_433, %dma_start3A_443, %dma_start3A_444] : memref<5x160x128xf32, #tpu.memory_space<vmem>> -> memref<1x160x128xf32, #tpu.memory_space<vmem>>
        %dma_start3A_446 = tpu.memref_squeeze %dma_start3A_445 : memref<1x160x128xf32, #tpu.memory_space<vmem>> -> memref<160x128xf32, #tpu.memory_space<vmem>>
        %dma_start3A_447 = arith.constant 0 : i32
        %dma_start3A_448 = tpu.memref_slice %arg2[%mul3A_432, %dma_start3A_447] : memref<100000x128xf32, #tpu.memory_space<hbm>> -> memref<160x128xf32, #tpu.memory_space<hbm>>
        tpu.enqueue_dma source(%dma_start3A_448 : memref<160x128xf32, #tpu.memory_space<hbm>>) target(%dma_start3A_446 : memref<160x128xf32, #tpu.memory_space<vmem>>) target_semaphore(%dma_start3A_442 : memref<!tpu.dma_semaphore, #tpu.memory_space<semaphore_mem>>)
        %dma_start3A_449 = arith.constant 0 : i32
        %dma_start3A_450 = arith.constant 0 : i32
        %dma_start3A_451 = tpu.memref_slice %arg7[%dma_start3A_450] : memref<800xi32, #tpu.memory_space<vmem>> -> memref<160xi32, #tpu.memory_space<vmem>>
        %dma_start3A_452 = tpu.memref_slice %arg3[%mul3A_432] : memref<100000xi32, #tpu.memory_space<hbm>> -> memref<160xi32, #tpu.memory_space<hbm>>
        %dma_start3A_453 = tpu.memref_slice %arg13[%dma_start3A_449] : memref<5x!tpu.dma_semaphore, #tpu.memory_space<semaphore_mem>> -> memref<1x!tpu.dma_semaphore, #tpu.memory_space<semaphore_mem>>
        %dma_start3A_454 = tpu.memref_squeeze %dma_start3A_453 : memref<1x!tpu.dma_semaphore, #tpu.memory_space<semaphore_mem>> -> memref<!tpu.dma_semaphore, #tpu.memory_space<semaphore_mem>>
        %dma_start3A_455 = arith.constant 0 : i32
        %dma_start3A_456 = tpu.memref_slice %arg7[%dma_start3A_455] : memref<800xi32, #tpu.memory_space<vmem>> -> memref<160xi32, #tpu.memory_space<vmem>>
        %dma_start3A_457 = tpu.memref_slice %arg3[%mul3A_432] : memref<100000xi32, #tpu.memory_space<hbm>> -> memref<160xi32, #tpu.memory_space<hbm>>
        tpu.enqueue_dma source(%dma_start3A_457 : memref<160xi32, #tpu.memory_space<hbm>>) target(%dma_start3A_456 : memref<160xi32, #tpu.memory_space<vmem>>) target_semaphore(%dma_start3A_454 : memref<!tpu.dma_semaphore, #tpu.memory_space<semaphore_mem>>)
        %dma_start3A_458 = arith.constant 0 : i32
        %dma_start3A_459 = arith.constant 0 : i32
        %dma_start3A_460 = tpu.memref_slice %arg8[%dma_start3A_459] : memref<800xi32, #tpu.memory_space<vmem>> -> memref<160xi32, #tpu.memory_space<vmem>>
        %dma_start3A_461 = tpu.memref_slice %arg4[%mul3A_432] : memref<100000xi32, #tpu.memory_space<hbm>> -> memref<160xi32, #tpu.memory_space<hbm>>
        %dma_start3A_462 = tpu.memref_slice %arg13[%dma_start3A_458] : memref<5x!tpu.dma_semaphore, #tpu.memory_space<semaphore_mem>> -> memref<1x!tpu.dma_semaphore, #tpu.memory_space<semaphore_mem>>
        %dma_start3A_463 = tpu.memref_squeeze %dma_start3A_462 : memref<1x!tpu.dma_semaphore, #tpu.memory_space<semaphore_mem>> -> memref<!tpu.dma_semaphore, #tpu.memory_space<semaphore_mem>>
        %dma_start3A_464 = arith.constant 0 : i32
        %dma_start3A_465 = tpu.memref_slice %arg8[%dma_start3A_464] : memref<800xi32, #tpu.memory_space<vmem>> -> memref<160xi32, #tpu.memory_space<vmem>>
        %dma_start3A_466 = tpu.memref_slice %arg4[%mul3A_432] : memref<100000xi32, #tpu.memory_space<hbm>> -> memref<160xi32, #tpu.memory_space<hbm>>
        tpu.enqueue_dma source(%dma_start3A_466 : memref<160xi32, #tpu.memory_space<hbm>>) target(%dma_start3A_465 : memref<160xi32, #tpu.memory_space<vmem>>) target_semaphore(%dma_start3A_463 : memref<!tpu.dma_semaphore, #tpu.memory_space<semaphore_mem>>)
      } else {
      }
      %add3A_378 = arith.constant 1 : i32
      %add3A_379 = arith.addi %mul3A_312, %add3A_378 : i32
      %add3A_380 = arith.constant 5 : i32
      %add3A_381 = arith.addi %add3A_379, %add3A_380 : i32
      %lt3A_382 = arith.cmpi slt, %add3A_381, %select_n3A : i32
      %convert_element_type3A_383 = arith.extui %lt3A_382 : i1 to i32
      %cond3A_384 = arith.constant 0 : i32
      %cond3A_385 = arith.cmpi ne, %convert_element_type3A_383, %cond3A_384 : i32
      scf.if %cond3A_385 {
        %dma_wait3A_410 = arith.constant 1 : i32
        %dma_wait3A_411 = arith.constant 1 : i32
        %dma_wait3A_412 = arith.constant 0 : i32
        %dma_wait3A_413 = arith.constant 0 : i32
        %dma_wait3A_414 = tpu.memref_slice %arg10[%dma_wait3A_410, %dma_wait3A_412, %dma_wait3A_413] : memref<5x160x128xf32, #tpu.memory_space<vmem>> -> memref<1x160x128xf32, #tpu.memory_space<vmem>>
        %dma_wait3A_415 = tpu.memref_squeeze %dma_wait3A_414 : memref<1x160x128xf32, #tpu.memory_space<vmem>> -> memref<160x128xf32, #tpu.memory_space<vmem>>
        %dma_wait3A_416 = arith.constant 0 : i32
        %dma_wait3A_417 = arith.constant 0 : i32
        %dma_wait3A_418 = tpu.memref_slice %arg6[%dma_wait3A_416, %dma_wait3A_417] : memref<100000x128xf32, #tpu.memory_space<hbm>> -> memref<160x128xf32, #tpu.memory_space<hbm>>
        %dma_wait3A_419 = tpu.memref_slice %arg15[%dma_wait3A_411] : memref<5x!tpu.dma_semaphore, #tpu.memory_space<semaphore_mem>> -> memref<1x!tpu.dma_semaphore, #tpu.memory_space<semaphore_mem>>
        %dma_wait3A_420 = tpu.memref_squeeze %dma_wait3A_419 : memref<1x!tpu.dma_semaphore, #tpu.memory_space<semaphore_mem>> -> memref<!tpu.dma_semaphore, #tpu.memory_space<semaphore_mem>>
        %dma_wait3A_421 = arith.constant 0 : i32
        %dma_wait3A_422 = arith.constant 0 : i32
        %dma_wait3A_423 = tpu.memref_slice %arg6[%dma_wait3A_421, %dma_wait3A_422] : memref<100000x128xf32, #tpu.memory_space<hbm>> -> memref<160x128xf32, #tpu.memory_space<hbm>>
        %dma_wait3A_424 = arith.constant 0 : i32
        %dma_wait3A_425 = arith.constant 0 : i32
        %dma_wait3A_426 = tpu.memref_slice %arg10[%dma_wait3A_410, %dma_wait3A_424, %dma_wait3A_425] : memref<5x160x128xf32, #tpu.memory_space<vmem>> -> memref<1x160x128xf32, #tpu.memory_space<vmem>>
        %dma_wait3A_427 = tpu.memref_squeeze %dma_wait3A_426 : memref<1x160x128xf32, #tpu.memory_space<vmem>> -> memref<160x128xf32, #tpu.memory_space<vmem>>
        tpu.wait_dma2 semaphore(%dma_wait3A_420 : memref<!tpu.dma_semaphore, #tpu.memory_space<semaphore_mem>>) src(%dma_wait3A_427 : memref<160x128xf32, #tpu.memory_space<vmem>>) dst(%dma_wait3A_423 : memref<160x128xf32, #tpu.memory_space<hbm>>)
        %mul3A_428 = arith.constant 32 : i32
        %mul3A_429 = arith.muli %add3A_381, %mul3A_428 : i32
        %add3A_430 = arith.addi %add3A, %mul3A_429 : i32
        %mul3A_431 = arith.constant 160 : i32
        %mul3A_432 = arith.muli %add3A_430, %mul3A_431 : i32
        %dma_start3A_433 = arith.constant 1 : i32
        %dma_start3A_434 = arith.constant 1 : i32
        %dma_start3A_435 = arith.constant 0 : i32
        %dma_start3A_436 = arith.constant 0 : i32
        %dma_start3A_437 = tpu.memref_slice %arg10[%dma_start3A_433, %dma_start3A_435, %dma_start3A_436] : memref<5x160x128xf32, #tpu.memory_space<vmem>> -> memref<1x160x128xf32, #tpu.memory_space<vmem>>
        %dma_start3A_438 = tpu.memref_squeeze %dma_start3A_437 : memref<1x160x128xf32, #tpu.memory_space<vmem>> -> memref<160x128xf32, #tpu.memory_space<vmem>>
        %dma_start3A_439 = arith.constant 0 : i32
        %dma_start3A_440 = tpu.memref_slice %arg2[%mul3A_432, %dma_start3A_439] : memref<100000x128xf32, #tpu.memory_space<hbm>> -> memref<160x128xf32, #tpu.memory_space<hbm>>
        %dma_start3A_441 = tpu.memref_slice %arg12[%dma_start3A_434] : memref<5x!tpu.dma_semaphore, #tpu.memory_space<semaphore_mem>> -> memref<1x!tpu.dma_semaphore, #tpu.memory_space<semaphore_mem>>
        %dma_start3A_442 = tpu.memref_squeeze %dma_start3A_441 : memref<1x!tpu.dma_semaphore, #tpu.memory_space<semaphore_mem>> -> memref<!tpu.dma_semaphore, #tpu.memory_space<semaphore_mem>>
        %dma_start3A_443 = arith.constant 0 : i32
        %dma_start3A_444 = arith.constant 0 : i32
        %dma_start3A_445 = tpu.memref_slice %arg10[%dma_start3A_433, %dma_start3A_443, %dma_start3A_444] : memref<5x160x128xf32, #tpu.memory_space<vmem>> -> memref<1x160x128xf32, #tpu.memory_space<vmem>>
        %dma_start3A_446 = tpu.memref_squeeze %dma_start3A_445 : memref<1x160x128xf32, #tpu.memory_space<vmem>> -> memref<160x128xf32, #tpu.memory_space<vmem>>
        %dma_start3A_447 = arith.constant 0 : i32
        %dma_start3A_448 = tpu.memref_slice %arg2[%mul3A_432, %dma_start3A_447] : memref<100000x128xf32, #tpu.memory_space<hbm>> -> memref<160x128xf32, #tpu.memory_space<hbm>>
        tpu.enqueue_dma source(%dma_start3A_448 : memref<160x128xf32, #tpu.memory_space<hbm>>) target(%dma_start3A_446 : memref<160x128xf32, #tpu.memory_space<vmem>>) target_semaphore(%dma_start3A_442 : memref<!tpu.dma_semaphore, #tpu.memory_space<semaphore_mem>>)
        %dma_start3A_449 = arith.constant 1 : i32
        %dma_start3A_450 = arith.constant 160 : i32
        %dma_start3A_451 = tpu.memref_slice %arg7[%dma_start3A_450] : memref<800xi32, #tpu.memory_space<vmem>> -> memref<160xi32, #tpu.memory_space<vmem>>
        %dma_start3A_452 = tpu.memref_slice %arg3[%mul3A_432] : memref<100000xi32, #tpu.memory_space<hbm>> -> memref<160xi32, #tpu.memory_space<hbm>>
        %dma_start3A_453 = tpu.memref_slice %arg13[%dma_start3A_449] : memref<5x!tpu.dma_semaphore, #tpu.memory_space<semaphore_mem>> -> memref<1x!tpu.dma_semaphore, #tpu.memory_space<semaphore_mem>>
        %dma_start3A_454 = tpu.memref_squeeze %dma_start3A_453 : memref<1x!tpu.dma_semaphore, #tpu.memory_space<semaphore_mem>> -> memref<!tpu.dma_semaphore, #tpu.memory_space<semaphore_mem>>
        %dma_start3A_455 = arith.constant 160 : i32
        %dma_start3A_456 = tpu.memref_slice %arg7[%dma_start3A_455] : memref<800xi32, #tpu.memory_space<vmem>> -> memref<160xi32, #tpu.memory_space<vmem>>
        %dma_start3A_457 = tpu.memref_slice %arg3[%mul3A_432] : memref<100000xi32, #tpu.memory_space<hbm>> -> memref<160xi32, #tpu.memory_space<hbm>>
        tpu.enqueue_dma source(%dma_start3A_457 : memref<160xi32, #tpu.memory_space<hbm>>) target(%dma_start3A_456 : memref<160xi32, #tpu.memory_space<vmem>>) target_semaphore(%dma_start3A_454 : memref<!tpu.dma_semaphore, #tpu.memory_space<semaphore_mem>>)
        %dma_start3A_458 = arith.constant 1 : i32
        %dma_start3A_459 = arith.constant 160 : i32
        %dma_start3A_460 = tpu.memref_slice %arg8[%dma_start3A_459] : memref<800xi32, #tpu.memory_space<vmem>> -> memref<160xi32, #tpu.memory_space<vmem>>
        %dma_start3A_461 = tpu.memref_slice %arg4[%mul3A_432] : memref<100000xi32, #tpu.memory_space<hbm>> -> memref<160xi32, #tpu.memory_space<hbm>>
        %dma_start3A_462 = tpu.memref_slice %arg13[%dma_start3A_458] : memref<5x!tpu.dma_semaphore, #tpu.memory_space<semaphore_mem>> -> memref<1x!tpu.dma_semaphore, #tpu.memory_space<semaphore_mem>>
        %dma_start3A_463 = tpu.memref_squeeze %dma_start3A_462 : memref<1x!tpu.dma_semaphore, #tpu.memory_space<semaphore_mem>> -> memref<!tpu.dma_semaphore, #tpu.memory_space<semaphore_mem>>
        %dma_start3A_464 = arith.constant 160 : i32
        %dma_start3A_465 = tpu.memref_slice %arg8[%dma_start3A_464] : memref<800xi32, #tpu.memory_space<vmem>> -> memref<160xi32, #tpu.memory_space<vmem>>
        %dma_start3A_466 = tpu.memref_slice %arg4[%mul3A_432] : memref<100000xi32, #tpu.memory_space<hbm>> -> memref<160xi32, #tpu.memory_space<hbm>>
        tpu.enqueue_dma source(%dma_start3A_466 : memref<160xi32, #tpu.memory_space<hbm>>) target(%dma_start3A_465 : memref<160xi32, #tpu.memory_space<vmem>>) target_semaphore(%dma_start3A_463 : memref<!tpu.dma_semaphore, #tpu.memory_space<semaphore_mem>>)
      } else {
      }
      %add3A_386 = arith.constant 2 : i32
      %add3A_387 = arith.addi %mul3A_312, %add3A_386 : i32
      %add3A_388 = arith.constant 5 : i32
      %add3A_389 = arith.addi %add3A_387, %add3A_388 : i32
      %lt3A_390 = arith.cmpi slt, %add3A_389, %select_n3A : i32
      %convert_element_type3A_391 = arith.extui %lt3A_390 : i1 to i32
      %cond3A_392 = arith.constant 0 : i32
      %cond3A_393 = arith.cmpi ne, %convert_element_type3A_391, %cond3A_392 : i32
      scf.if %cond3A_393 {
        %dma_wait3A_410 = arith.constant 2 : i32
        %dma_wait3A_411 = arith.constant 2 : i32
        %dma_wait3A_412 = arith.constant 0 : i32
        %dma_wait3A_413 = arith.constant 0 : i32
        %dma_wait3A_414 = tpu.memref_slice %arg10[%dma_wait3A_410, %dma_wait3A_412, %dma_wait3A_413] : memref<5x160x128xf32, #tpu.memory_space<vmem>> -> memref<1x160x128xf32, #tpu.memory_space<vmem>>
        %dma_wait3A_415 = tpu.memref_squeeze %dma_wait3A_414 : memref<1x160x128xf32, #tpu.memory_space<vmem>> -> memref<160x128xf32, #tpu.memory_space<vmem>>
        %dma_wait3A_416 = arith.constant 0 : i32
        %dma_wait3A_417 = arith.constant 0 : i32
        %dma_wait3A_418 = tpu.memref_slice %arg6[%dma_wait3A_416, %dma_wait3A_417] : memref<100000x128xf32, #tpu.memory_space<hbm>> -> memref<160x128xf32, #tpu.memory_space<hbm>>
        %dma_wait3A_419 = tpu.memref_slice %arg15[%dma_wait3A_411] : memref<5x!tpu.dma_semaphore, #tpu.memory_space<semaphore_mem>> -> memref<1x!tpu.dma_semaphore, #tpu.memory_space<semaphore_mem>>
        %dma_wait3A_420 = tpu.memref_squeeze %dma_wait3A_419 : memref<1x!tpu.dma_semaphore, #tpu.memory_space<semaphore_mem>> -> memref<!tpu.dma_semaphore, #tpu.memory_space<semaphore_mem>>
        %dma_wait3A_421 = arith.constant 0 : i32
        %dma_wait3A_422 = arith.constant 0 : i32
        %dma_wait3A_423 = tpu.memref_slice %arg6[%dma_wait3A_421, %dma_wait3A_422] : memref<100000x128xf32, #tpu.memory_space<hbm>> -> memref<160x128xf32, #tpu.memory_space<hbm>>
        %dma_wait3A_424 = arith.constant 0 : i32
        %dma_wait3A_425 = arith.constant 0 : i32
        %dma_wait3A_426 = tpu.memref_slice %arg10[%dma_wait3A_410, %dma_wait3A_424, %dma_wait3A_425] : memref<5x160x128xf32, #tpu.memory_space<vmem>> -> memref<1x160x128xf32, #tpu.memory_space<vmem>>
        %dma_wait3A_427 = tpu.memref_squeeze %dma_wait3A_426 : memref<1x160x128xf32, #tpu.memory_space<vmem>> -> memref<160x128xf32, #tpu.memory_space<vmem>>
        tpu.wait_dma2 semaphore(%dma_wait3A_420 : memref<!tpu.dma_semaphore, #tpu.memory_space<semaphore_mem>>) src(%dma_wait3A_427 : memref<160x128xf32, #tpu.memory_space<vmem>>) dst(%dma_wait3A_423 : memref<160x128xf32, #tpu.memory_space<hbm>>)
        %mul3A_428 = arith.constant 32 : i32
        %mul3A_429 = arith.muli %add3A_389, %mul3A_428 : i32
        %add3A_430 = arith.addi %add3A, %mul3A_429 : i32
        %mul3A_431 = arith.constant 160 : i32
        %mul3A_432 = arith.muli %add3A_430, %mul3A_431 : i32
        %dma_start3A_433 = arith.constant 2 : i32
        %dma_start3A_434 = arith.constant 2 : i32
        %dma_start3A_435 = arith.constant 0 : i32
        %dma_start3A_436 = arith.constant 0 : i32
        %dma_start3A_437 = tpu.memref_slice %arg10[%dma_start3A_433, %dma_start3A_435, %dma_start3A_436] : memref<5x160x128xf32, #tpu.memory_space<vmem>> -> memref<1x160x128xf32, #tpu.memory_space<vmem>>
        %dma_start3A_438 = tpu.memref_squeeze %dma_start3A_437 : memref<1x160x128xf32, #tpu.memory_space<vmem>> -> memref<160x128xf32, #tpu.memory_space<vmem>>
        %dma_start3A_439 = arith.constant 0 : i32
        %dma_start3A_440 = tpu.memref_slice %arg2[%mul3A_432, %dma_start3A_439] : memref<100000x128xf32, #tpu.memory_space<hbm>> -> memref<160x128xf32, #tpu.memory_space<hbm>>
        %dma_start3A_441 = tpu.memref_slice %arg12[%dma_start3A_434] : memref<5x!tpu.dma_semaphore, #tpu.memory_space<semaphore_mem>> -> memref<1x!tpu.dma_semaphore, #tpu.memory_space<semaphore_mem>>
        %dma_start3A_442 = tpu.memref_squeeze %dma_start3A_441 : memref<1x!tpu.dma_semaphore, #tpu.memory_space<semaphore_mem>> -> memref<!tpu.dma_semaphore, #tpu.memory_space<semaphore_mem>>
        %dma_start3A_443 = arith.constant 0 : i32
        %dma_start3A_444 = arith.constant 0 : i32
        %dma_start3A_445 = tpu.memref_slice %arg10[%dma_start3A_433, %dma_start3A_443, %dma_start3A_444] : memref<5x160x128xf32, #tpu.memory_space<vmem>> -> memref<1x160x128xf32, #tpu.memory_space<vmem>>
        %dma_start3A_446 = tpu.memref_squeeze %dma_start3A_445 : memref<1x160x128xf32, #tpu.memory_space<vmem>> -> memref<160x128xf32, #tpu.memory_space<vmem>>
        %dma_start3A_447 = arith.constant 0 : i32
        %dma_start3A_448 = tpu.memref_slice %arg2[%mul3A_432, %dma_start3A_447] : memref<100000x128xf32, #tpu.memory_space<hbm>> -> memref<160x128xf32, #tpu.memory_space<hbm>>
        tpu.enqueue_dma source(%dma_start3A_448 : memref<160x128xf32, #tpu.memory_space<hbm>>) target(%dma_start3A_446 : memref<160x128xf32, #tpu.memory_space<vmem>>) target_semaphore(%dma_start3A_442 : memref<!tpu.dma_semaphore, #tpu.memory_space<semaphore_mem>>)
        %dma_start3A_449 = arith.constant 2 : i32
        %dma_start3A_450 = arith.constant 320 : i32
        %dma_start3A_451 = tpu.memref_slice %arg7[%dma_start3A_450] : memref<800xi32, #tpu.memory_space<vmem>> -> memref<160xi32, #tpu.memory_space<vmem>>
        %dma_start3A_452 = tpu.memref_slice %arg3[%mul3A_432] : memref<100000xi32, #tpu.memory_space<hbm>> -> memref<160xi32, #tpu.memory_space<hbm>>
        %dma_start3A_453 = tpu.memref_slice %arg13[%dma_start3A_449] : memref<5x!tpu.dma_semaphore, #tpu.memory_space<semaphore_mem>> -> memref<1x!tpu.dma_semaphore, #tpu.memory_space<semaphore_mem>>
        %dma_start3A_454 = tpu.memref_squeeze %dma_start3A_453 : memref<1x!tpu.dma_semaphore, #tpu.memory_space<semaphore_mem>> -> memref<!tpu.dma_semaphore, #tpu.memory_space<semaphore_mem>>
        %dma_start3A_455 = arith.constant 320 : i32
        %dma_start3A_456 = tpu.memref_slice %arg7[%dma_start3A_455] : memref<800xi32, #tpu.memory_space<vmem>> -> memref<160xi32, #tpu.memory_space<vmem>>
        %dma_start3A_457 = tpu.memref_slice %arg3[%mul3A_432] : memref<100000xi32, #tpu.memory_space<hbm>> -> memref<160xi32, #tpu.memory_space<hbm>>
        tpu.enqueue_dma source(%dma_start3A_457 : memref<160xi32, #tpu.memory_space<hbm>>) target(%dma_start3A_456 : memref<160xi32, #tpu.memory_space<vmem>>) target_semaphore(%dma_start3A_454 : memref<!tpu.dma_semaphore, #tpu.memory_space<semaphore_mem>>)
        %dma_start3A_458 = arith.constant 2 : i32
        %dma_start3A_459 = arith.constant 320 : i32
        %dma_start3A_460 = tpu.memref_slice %arg8[%dma_start3A_459] : memref<800xi32, #tpu.memory_space<vmem>> -> memref<160xi32, #tpu.memory_space<vmem>>
        %dma_start3A_461 = tpu.memref_slice %arg4[%mul3A_432] : memref<100000xi32, #tpu.memory_space<hbm>> -> memref<160xi32, #tpu.memory_space<hbm>>
        %dma_start3A_462 = tpu.memref_slice %arg13[%dma_start3A_458] : memref<5x!tpu.dma_semaphore, #tpu.memory_space<semaphore_mem>> -> memref<1x!tpu.dma_semaphore, #tpu.memory_space<semaphore_mem>>
        %dma_start3A_463 = tpu.memref_squeeze %dma_start3A_462 : memref<1x!tpu.dma_semaphore, #tpu.memory_space<semaphore_mem>> -> memref<!tpu.dma_semaphore, #tpu.memory_space<semaphore_mem>>
        %dma_start3A_464 = arith.constant 320 : i32
        %dma_start3A_465 = tpu.memref_slice %arg8[%dma_start3A_464] : memref<800xi32, #tpu.memory_space<vmem>> -> memref<160xi32, #tpu.memory_space<vmem>>
        %dma_start3A_466 = tpu.memref_slice %arg4[%mul3A_432] : memref<100000xi32, #tpu.memory_space<hbm>> -> memref<160xi32, #tpu.memory_space<hbm>>
        tpu.enqueue_dma source(%dma_start3A_466 : memref<160xi32, #tpu.memory_space<hbm>>) target(%dma_start3A_465 : memref<160xi32, #tpu.memory_space<vmem>>) target_semaphore(%dma_start3A_463 : memref<!tpu.dma_semaphore, #tpu.memory_space<semaphore_mem>>)
      } else {
      }
      %add3A_394 = arith.constant 3 : i32
      %add3A_395 = arith.addi %mul3A_312, %add3A_394 : i32
      %add3A_396 = arith.constant 5 : i32
      %add3A_397 = arith.addi %add3A_395, %add3A_396 : i32
      %lt3A_398 = arith.cmpi slt, %add3A_397, %select_n3A : i32
      %convert_element_type3A_399 = arith.extui %lt3A_398 : i1 to i32
      %cond3A_400 = arith.constant 0 : i32
      %cond3A_401 = arith.cmpi ne, %convert_element_type3A_399, %cond3A_400 : i32
      scf.if %cond3A_401 {
        %dma_wait3A_410 = arith.constant 3 : i32
        %dma_wait3A_411 = arith.constant 3 : i32
        %dma_wait3A_412 = arith.constant 0 : i32
        %dma_wait3A_413 = arith.constant 0 : i32
        %dma_wait3A_414 = tpu.memref_slice %arg10[%dma_wait3A_410, %dma_wait3A_412, %dma_wait3A_413] : memref<5x160x128xf32, #tpu.memory_space<vmem>> -> memref<1x160x128xf32, #tpu.memory_space<vmem>>
        %dma_wait3A_415 = tpu.memref_squeeze %dma_wait3A_414 : memref<1x160x128xf32, #tpu.memory_space<vmem>> -> memref<160x128xf32, #tpu.memory_space<vmem>>
        %dma_wait3A_416 = arith.constant 0 : i32
        %dma_wait3A_417 = arith.constant 0 : i32
        %dma_wait3A_418 = tpu.memref_slice %arg6[%dma_wait3A_416, %dma_wait3A_417] : memref<100000x128xf32, #tpu.memory_space<hbm>> -> memref<160x128xf32, #tpu.memory_space<hbm>>
        %dma_wait3A_419 = tpu.memref_slice %arg15[%dma_wait3A_411] : memref<5x!tpu.dma_semaphore, #tpu.memory_space<semaphore_mem>> -> memref<1x!tpu.dma_semaphore, #tpu.memory_space<semaphore_mem>>
        %dma_wait3A_420 = tpu.memref_squeeze %dma_wait3A_419 : memref<1x!tpu.dma_semaphore, #tpu.memory_space<semaphore_mem>> -> memref<!tpu.dma_semaphore, #tpu.memory_space<semaphore_mem>>
        %dma_wait3A_421 = arith.constant 0 : i32
        %dma_wait3A_422 = arith.constant 0 : i32
        %dma_wait3A_423 = tpu.memref_slice %arg6[%dma_wait3A_421, %dma_wait3A_422] : memref<100000x128xf32, #tpu.memory_space<hbm>> -> memref<160x128xf32, #tpu.memory_space<hbm>>
        %dma_wait3A_424 = arith.constant 0 : i32
        %dma_wait3A_425 = arith.constant 0 : i32
        %dma_wait3A_426 = tpu.memref_slice %arg10[%dma_wait3A_410, %dma_wait3A_424, %dma_wait3A_425] : memref<5x160x128xf32, #tpu.memory_space<vmem>> -> memref<1x160x128xf32, #tpu.memory_space<vmem>>
        %dma_wait3A_427 = tpu.memref_squeeze %dma_wait3A_426 : memref<1x160x128xf32, #tpu.memory_space<vmem>> -> memref<160x128xf32, #tpu.memory_space<vmem>>
        tpu.wait_dma2 semaphore(%dma_wait3A_420 : memref<!tpu.dma_semaphore, #tpu.memory_space<semaphore_mem>>) src(%dma_wait3A_427 : memref<160x128xf32, #tpu.memory_space<vmem>>) dst(%dma_wait3A_423 : memref<160x128xf32, #tpu.memory_space<hbm>>)
        %mul3A_428 = arith.constant 32 : i32
        %mul3A_429 = arith.muli %add3A_397, %mul3A_428 : i32
        %add3A_430 = arith.addi %add3A, %mul3A_429 : i32
        %mul3A_431 = arith.constant 160 : i32
        %mul3A_432 = arith.muli %add3A_430, %mul3A_431 : i32
        %dma_start3A_433 = arith.constant 3 : i32
        %dma_start3A_434 = arith.constant 3 : i32
        %dma_start3A_435 = arith.constant 0 : i32
        %dma_start3A_436 = arith.constant 0 : i32
        %dma_start3A_437 = tpu.memref_slice %arg10[%dma_start3A_433, %dma_start3A_435, %dma_start3A_436] : memref<5x160x128xf32, #tpu.memory_space<vmem>> -> memref<1x160x128xf32, #tpu.memory_space<vmem>>
        %dma_start3A_438 = tpu.memref_squeeze %dma_start3A_437 : memref<1x160x128xf32, #tpu.memory_space<vmem>> -> memref<160x128xf32, #tpu.memory_space<vmem>>
        %dma_start3A_439 = arith.constant 0 : i32
        %dma_start3A_440 = tpu.memref_slice %arg2[%mul3A_432, %dma_start3A_439] : memref<100000x128xf32, #tpu.memory_space<hbm>> -> memref<160x128xf32, #tpu.memory_space<hbm>>
        %dma_start3A_441 = tpu.memref_slice %arg12[%dma_start3A_434] : memref<5x!tpu.dma_semaphore, #tpu.memory_space<semaphore_mem>> -> memref<1x!tpu.dma_semaphore, #tpu.memory_space<semaphore_mem>>
        %dma_start3A_442 = tpu.memref_squeeze %dma_start3A_441 : memref<1x!tpu.dma_semaphore, #tpu.memory_space<semaphore_mem>> -> memref<!tpu.dma_semaphore, #tpu.memory_space<semaphore_mem>>
        %dma_start3A_443 = arith.constant 0 : i32
        %dma_start3A_444 = arith.constant 0 : i32
        %dma_start3A_445 = tpu.memref_slice %arg10[%dma_start3A_433, %dma_start3A_443, %dma_start3A_444] : memref<5x160x128xf32, #tpu.memory_space<vmem>> -> memref<1x160x128xf32, #tpu.memory_space<vmem>>
        %dma_start3A_446 = tpu.memref_squeeze %dma_start3A_445 : memref<1x160x128xf32, #tpu.memory_space<vmem>> -> memref<160x128xf32, #tpu.memory_space<vmem>>
        %dma_start3A_447 = arith.constant 0 : i32
        %dma_start3A_448 = tpu.memref_slice %arg2[%mul3A_432, %dma_start3A_447] : memref<100000x128xf32, #tpu.memory_space<hbm>> -> memref<160x128xf32, #tpu.memory_space<hbm>>
        tpu.enqueue_dma source(%dma_start3A_448 : memref<160x128xf32, #tpu.memory_space<hbm>>) target(%dma_start3A_446 : memref<160x128xf32, #tpu.memory_space<vmem>>) target_semaphore(%dma_start3A_442 : memref<!tpu.dma_semaphore, #tpu.memory_space<semaphore_mem>>)
        %dma_start3A_449 = arith.constant 3 : i32
        %dma_start3A_450 = arith.constant 480 : i32
        %dma_start3A_451 = tpu.memref_slice %arg7[%dma_start3A_450] : memref<800xi32, #tpu.memory_space<vmem>> -> memref<160xi32, #tpu.memory_space<vmem>>
        %dma_start3A_452 = tpu.memref_slice %arg3[%mul3A_432] : memref<100000xi32, #tpu.memory_space<hbm>> -> memref<160xi32, #tpu.memory_space<hbm>>
        %dma_start3A_453 = tpu.memref_slice %arg13[%dma_start3A_449] : memref<5x!tpu.dma_semaphore, #tpu.memory_space<semaphore_mem>> -> memref<1x!tpu.dma_semaphore, #tpu.memory_space<semaphore_mem>>
        %dma_start3A_454 = tpu.memref_squeeze %dma_start3A_453 : memref<1x!tpu.dma_semaphore, #tpu.memory_space<semaphore_mem>> -> memref<!tpu.dma_semaphore, #tpu.memory_space<semaphore_mem>>
        %dma_start3A_455 = arith.constant 480 : i32
        %dma_start3A_456 = tpu.memref_slice %arg7[%dma_start3A_455] : memref<800xi32, #tpu.memory_space<vmem>> -> memref<160xi32, #tpu.memory_space<vmem>>
        %dma_start3A_457 = tpu.memref_slice %arg3[%mul3A_432] : memref<100000xi32, #tpu.memory_space<hbm>> -> memref<160xi32, #tpu.memory_space<hbm>>
        tpu.enqueue_dma source(%dma_start3A_457 : memref<160xi32, #tpu.memory_space<hbm>>) target(%dma_start3A_456 : memref<160xi32, #tpu.memory_space<vmem>>) target_semaphore(%dma_start3A_454 : memref<!tpu.dma_semaphore, #tpu.memory_space<semaphore_mem>>)
        %dma_start3A_458 = arith.constant 3 : i32
        %dma_start3A_459 = arith.constant 480 : i32
        %dma_start3A_460 = tpu.memref_slice %arg8[%dma_start3A_459] : memref<800xi32, #tpu.memory_space<vmem>> -> memref<160xi32, #tpu.memory_space<vmem>>
        %dma_start3A_461 = tpu.memref_slice %arg4[%mul3A_432] : memref<100000xi32, #tpu.memory_space<hbm>> -> memref<160xi32, #tpu.memory_space<hbm>>
        %dma_start3A_462 = tpu.memref_slice %arg13[%dma_start3A_458] : memref<5x!tpu.dma_semaphore, #tpu.memory_space<semaphore_mem>> -> memref<1x!tpu.dma_semaphore, #tpu.memory_space<semaphore_mem>>
        %dma_start3A_463 = tpu.memref_squeeze %dma_start3A_462 : memref<1x!tpu.dma_semaphore, #tpu.memory_space<semaphore_mem>> -> memref<!tpu.dma_semaphore, #tpu.memory_space<semaphore_mem>>
        %dma_start3A_464 = arith.constant 480 : i32
        %dma_start3A_465 = tpu.memref_slice %arg8[%dma_start3A_464] : memref<800xi32, #tpu.memory_space<vmem>> -> memref<160xi32, #tpu.memory_space<vmem>>
        %dma_start3A_466 = tpu.memref_slice %arg4[%mul3A_432] : memref<100000xi32, #tpu.memory_space<hbm>> -> memref<160xi32, #tpu.memory_space<hbm>>
        tpu.enqueue_dma source(%dma_start3A_466 : memref<160xi32, #tpu.memory_space<hbm>>) target(%dma_start3A_465 : memref<160xi32, #tpu.memory_space<vmem>>) target_semaphore(%dma_start3A_463 : memref<!tpu.dma_semaphore, #tpu.memory_space<semaphore_mem>>)
      } else {
      }
      %add3A_402 = arith.constant 4 : i32
      %add3A_403 = arith.addi %mul3A_312, %add3A_402 : i32
      %add3A_404 = arith.constant 5 : i32
      %add3A_405 = arith.addi %add3A_403, %add3A_404 : i32
      %lt3A_406 = arith.cmpi slt, %add3A_405, %select_n3A : i32
      %convert_element_type3A_407 = arith.extui %lt3A_406 : i1 to i32
      %cond3A_408 = arith.constant 0 : i32
      %cond3A_409 = arith.cmpi ne, %convert_element_type3A_407, %cond3A_408 : i32
      scf.if %cond3A_409 {
        %dma_wait3A_410 = arith.constant 4 : i32
        %dma_wait3A_411 = arith.constant 4 : i32
        %dma_wait3A_412 = arith.constant 0 : i32
        %dma_wait3A_413 = arith.constant 0 : i32
        %dma_wait3A_414 = tpu.memref_slice %arg10[%dma_wait3A_410, %dma_wait3A_412, %dma_wait3A_413] : memref<5x160x128xf32, #tpu.memory_space<vmem>> -> memref<1x160x128xf32, #tpu.memory_space<vmem>>
        %dma_wait3A_415 = tpu.memref_squeeze %dma_wait3A_414 : memref<1x160x128xf32, #tpu.memory_space<vmem>> -> memref<160x128xf32, #tpu.memory_space<vmem>>
        %dma_wait3A_416 = arith.constant 0 : i32
        %dma_wait3A_417 = arith.constant 0 : i32
        %dma_wait3A_418 = tpu.memref_slice %arg6[%dma_wait3A_416, %dma_wait3A_417] : memref<100000x128xf32, #tpu.memory_space<hbm>> -> memref<160x128xf32, #tpu.memory_space<hbm>>
        %dma_wait3A_419 = tpu.memref_slice %arg15[%dma_wait3A_411] : memref<5x!tpu.dma_semaphore, #tpu.memory_space<semaphore_mem>> -> memref<1x!tpu.dma_semaphore, #tpu.memory_space<semaphore_mem>>
        %dma_wait3A_420 = tpu.memref_squeeze %dma_wait3A_419 : memref<1x!tpu.dma_semaphore, #tpu.memory_space<semaphore_mem>> -> memref<!tpu.dma_semaphore, #tpu.memory_space<semaphore_mem>>
        %dma_wait3A_421 = arith.constant 0 : i32
        %dma_wait3A_422 = arith.constant 0 : i32
        %dma_wait3A_423 = tpu.memref_slice %arg6[%dma_wait3A_421, %dma_wait3A_422] : memref<100000x128xf32, #tpu.memory_space<hbm>> -> memref<160x128xf32, #tpu.memory_space<hbm>>
        %dma_wait3A_424 = arith.constant 0 : i32
        %dma_wait3A_425 = arith.constant 0 : i32
        %dma_wait3A_426 = tpu.memref_slice %arg10[%dma_wait3A_410, %dma_wait3A_424, %dma_wait3A_425] : memref<5x160x128xf32, #tpu.memory_space<vmem>> -> memref<1x160x128xf32, #tpu.memory_space<vmem>>
        %dma_wait3A_427 = tpu.memref_squeeze %dma_wait3A_426 : memref<1x160x128xf32, #tpu.memory_space<vmem>> -> memref<160x128xf32, #tpu.memory_space<vmem>>
        tpu.wait_dma2 semaphore(%dma_wait3A_420 : memref<!tpu.dma_semaphore, #tpu.memory_space<semaphore_mem>>) src(%dma_wait3A_427 : memref<160x128xf32, #tpu.memory_space<vmem>>) dst(%dma_wait3A_423 : memref<160x128xf32, #tpu.memory_space<hbm>>)
        %mul3A_428 = arith.constant 32 : i32
        %mul3A_429 = arith.muli %add3A_405, %mul3A_428 : i32
        %add3A_430 = arith.addi %add3A, %mul3A_429 : i32
        %mul3A_431 = arith.constant 160 : i32
        %mul3A_432 = arith.muli %add3A_430, %mul3A_431 : i32
        %dma_start3A_433 = arith.constant 4 : i32
        %dma_start3A_434 = arith.constant 4 : i32
        %dma_start3A_435 = arith.constant 0 : i32
        %dma_start3A_436 = arith.constant 0 : i32
        %dma_start3A_437 = tpu.memref_slice %arg10[%dma_start3A_433, %dma_start3A_435, %dma_start3A_436] : memref<5x160x128xf32, #tpu.memory_space<vmem>> -> memref<1x160x128xf32, #tpu.memory_space<vmem>>
        %dma_start3A_438 = tpu.memref_squeeze %dma_start3A_437 : memref<1x160x128xf32, #tpu.memory_space<vmem>> -> memref<160x128xf32, #tpu.memory_space<vmem>>
        %dma_start3A_439 = arith.constant 0 : i32
        %dma_start3A_440 = tpu.memref_slice %arg2[%mul3A_432, %dma_start3A_439] : memref<100000x128xf32, #tpu.memory_space<hbm>> -> memref<160x128xf32, #tpu.memory_space<hbm>>
        %dma_start3A_441 = tpu.memref_slice %arg12[%dma_start3A_434] : memref<5x!tpu.dma_semaphore, #tpu.memory_space<semaphore_mem>> -> memref<1x!tpu.dma_semaphore, #tpu.memory_space<semaphore_mem>>
        %dma_start3A_442 = tpu.memref_squeeze %dma_start3A_441 : memref<1x!tpu.dma_semaphore, #tpu.memory_space<semaphore_mem>> -> memref<!tpu.dma_semaphore, #tpu.memory_space<semaphore_mem>>
        %dma_start3A_443 = arith.constant 0 : i32
        %dma_start3A_444 = arith.constant 0 : i32
        %dma_start3A_445 = tpu.memref_slice %arg10[%dma_start3A_433, %dma_start3A_443, %dma_start3A_444] : memref<5x160x128xf32, #tpu.memory_space<vmem>> -> memref<1x160x128xf32, #tpu.memory_space<vmem>>
        %dma_start3A_446 = tpu.memref_squeeze %dma_start3A_445 : memref<1x160x128xf32, #tpu.memory_space<vmem>> -> memref<160x128xf32, #tpu.memory_space<vmem>>
        %dma_start3A_447 = arith.constant 0 : i32
        %dma_start3A_448 = tpu.memref_slice %arg2[%mul3A_432, %dma_start3A_447] : memref<100000x128xf32, #tpu.memory_space<hbm>> -> memref<160x128xf32, #tpu.memory_space<hbm>>
        tpu.enqueue_dma source(%dma_start3A_448 : memref<160x128xf32, #tpu.memory_space<hbm>>) target(%dma_start3A_446 : memref<160x128xf32, #tpu.memory_space<vmem>>) target_semaphore(%dma_start3A_442 : memref<!tpu.dma_semaphore, #tpu.memory_space<semaphore_mem>>)
        %dma_start3A_449 = arith.constant 4 : i32
        %dma_start3A_450 = arith.constant 640 : i32
        %dma_start3A_451 = tpu.memref_slice %arg7[%dma_start3A_450] : memref<800xi32, #tpu.memory_space<vmem>> -> memref<160xi32, #tpu.memory_space<vmem>>
        %dma_start3A_452 = tpu.memref_slice %arg3[%mul3A_432] : memref<100000xi32, #tpu.memory_space<hbm>> -> memref<160xi32, #tpu.memory_space<hbm>>
        %dma_start3A_453 = tpu.memref_slice %arg13[%dma_start3A_449] : memref<5x!tpu.dma_semaphore, #tpu.memory_space<semaphore_mem>> -> memref<1x!tpu.dma_semaphore, #tpu.memory_space<semaphore_mem>>
        %dma_start3A_454 = tpu.memref_squeeze %dma_start3A_453 : memref<1x!tpu.dma_semaphore, #tpu.memory_space<semaphore_mem>> -> memref<!tpu.dma_semaphore, #tpu.memory_space<semaphore_mem>>
        %dma_start3A_455 = arith.constant 640 : i32
        %dma_start3A_456 = tpu.memref_slice %arg7[%dma_start3A_455] : memref<800xi32, #tpu.memory_space<vmem>> -> memref<160xi32, #tpu.memory_space<vmem>>
        %dma_start3A_457 = tpu.memref_slice %arg3[%mul3A_432] : memref<100000xi32, #tpu.memory_space<hbm>> -> memref<160xi32, #tpu.memory_space<hbm>>
        tpu.enqueue_dma source(%dma_start3A_457 : memref<160xi32, #tpu.memory_space<hbm>>) target(%dma_start3A_456 : memref<160xi32, #tpu.memory_space<vmem>>) target_semaphore(%dma_start3A_454 : memref<!tpu.dma_semaphore, #tpu.memory_space<semaphore_mem>>)
        %dma_start3A_458 = arith.constant 4 : i32
        %dma_start3A_459 = arith.constant 640 : i32
        %dma_start3A_460 = tpu.memref_slice %arg8[%dma_start3A_459] : memref<800xi32, #tpu.memory_space<vmem>> -> memref<160xi32, #tpu.memory_space<vmem>>
        %dma_start3A_461 = tpu.memref_slice %arg4[%mul3A_432] : memref<100000xi32, #tpu.memory_space<hbm>> -> memref<160xi32, #tpu.memory_space<hbm>>
        %dma_start3A_462 = tpu.memref_slice %arg13[%dma_start3A_458] : memref<5x!tpu.dma_semaphore, #tpu.memory_space<semaphore_mem>> -> memref<1x!tpu.dma_semaphore, #tpu.memory_space<semaphore_mem>>
        %dma_start3A_463 = tpu.memref_squeeze %dma_start3A_462 : memref<1x!tpu.dma_semaphore, #tpu.memory_space<semaphore_mem>> -> memref<!tpu.dma_semaphore, #tpu.memory_space<semaphore_mem>>
        %dma_start3A_464 = arith.constant 640 : i32
        %dma_start3A_465 = tpu.memref_slice %arg8[%dma_start3A_464] : memref<800xi32, #tpu.memory_space<vmem>> -> memref<160xi32, #tpu.memory_space<vmem>>
        %dma_start3A_466 = tpu.memref_slice %arg4[%mul3A_432] : memref<100000xi32, #tpu.memory_space<hbm>> -> memref<160xi32, #tpu.memory_space<hbm>>
        tpu.enqueue_dma source(%dma_start3A_466 : memref<160xi32, #tpu.memory_space<hbm>>) target(%dma_start3A_465 : memref<160xi32, #tpu.memory_space<vmem>>) target_semaphore(%dma_start3A_463 : memref<!tpu.dma_semaphore, #tpu.memory_space<semaphore_mem>>)
      } else {
      }
    }
    %scan3A_220 = arith.constant 4 : i32
    %dma_wait3A = arith.constant 0 : i32
    %dma_wait3A_221 = arith.constant 0 : i32
    %dma_wait3A_222 = arith.constant 0 : i32
    %dma_wait3A_223 = arith.constant 0 : i32
    %dma_wait3A_224 = tpu.memref_slice %arg10[%dma_wait3A, %dma_wait3A_222, %dma_wait3A_223] : memref<5x160x128xf32, #tpu.memory_space<vmem>> -> memref<1x160x128xf32, #tpu.memory_space<vmem>>
    %dma_wait3A_225 = tpu.memref_squeeze %dma_wait3A_224 : memref<1x160x128xf32, #tpu.memory_space<vmem>> -> memref<160x128xf32, #tpu.memory_space<vmem>>
    %dma_wait3A_226 = arith.constant 0 : i32
    %dma_wait3A_227 = arith.constant 0 : i32
    %dma_wait3A_228 = tpu.memref_slice %arg6[%dma_wait3A_226, %dma_wait3A_227] : memref<100000x128xf32, #tpu.memory_space<hbm>> -> memref<160x128xf32, #tpu.memory_space<hbm>>
    %dma_wait3A_229 = tpu.memref_slice %arg15[%dma_wait3A_221] : memref<5x!tpu.dma_semaphore, #tpu.memory_space<semaphore_mem>> -> memref<1x!tpu.dma_semaphore, #tpu.memory_space<semaphore_mem>>
    %dma_wait3A_230 = tpu.memref_squeeze %dma_wait3A_229 : memref<1x!tpu.dma_semaphore, #tpu.memory_space<semaphore_mem>> -> memref<!tpu.dma_semaphore, #tpu.memory_space<semaphore_mem>>
    %dma_wait3A_231 = arith.constant 0 : i32
    %dma_wait3A_232 = arith.constant 0 : i32
    %dma_wait3A_233 = tpu.memref_slice %arg6[%dma_wait3A_231, %dma_wait3A_232] : memref<100000x128xf32, #tpu.memory_space<hbm>> -> memref<160x128xf32, #tpu.memory_space<hbm>>
    %dma_wait3A_234 = arith.constant 0 : i32
    %dma_wait3A_235 = arith.constant 0 : i32
    %dma_wait3A_236 = tpu.memref_slice %arg10[%dma_wait3A, %dma_wait3A_234, %dma_wait3A_235] : memref<5x160x128xf32, #tpu.memory_space<vmem>> -> memref<1x160x128xf32, #tpu.memory_space<vmem>>
    %dma_wait3A_237 = tpu.memref_squeeze %dma_wait3A_236 : memref<1x160x128xf32, #tpu.memory_space<vmem>> -> memref<160x128xf32, #tpu.memory_space<vmem>>
    tpu.wait_dma2 semaphore(%dma_wait3A_230 : memref<!tpu.dma_semaphore, #tpu.memory_space<semaphore_mem>>) src(%dma_wait3A_237 : memref<160x128xf32, #tpu.memory_space<vmem>>) dst(%dma_wait3A_233 : memref<160x128xf32, #tpu.memory_space<hbm>>)
    %dma_wait3A_238 = arith.constant 1 : i32
    %dma_wait3A_239 = arith.constant 1 : i32
    %dma_wait3A_240 = arith.constant 0 : i32
    %dma_wait3A_241 = arith.constant 0 : i32
    %dma_wait3A_242 = tpu.memref_slice %arg10[%dma_wait3A_238, %dma_wait3A_240, %dma_wait3A_241] : memref<5x160x128xf32, #tpu.memory_space<vmem>> -> memref<1x160x128xf32, #tpu.memory_space<vmem>>
    %dma_wait3A_243 = tpu.memref_squeeze %dma_wait3A_242 : memref<1x160x128xf32, #tpu.memory_space<vmem>> -> memref<160x128xf32, #tpu.memory_space<vmem>>
    %dma_wait3A_244 = arith.constant 0 : i32
    %dma_wait3A_245 = arith.constant 0 : i32
    %dma_wait3A_246 = tpu.memref_slice %arg6[%dma_wait3A_244, %dma_wait3A_245] : memref<100000x128xf32, #tpu.memory_space<hbm>> -> memref<160x128xf32, #tpu.memory_space<hbm>>
    %dma_wait3A_247 = tpu.memref_slice %arg15[%dma_wait3A_239] : memref<5x!tpu.dma_semaphore, #tpu.memory_space<semaphore_mem>> -> memref<1x!tpu.dma_semaphore, #tpu.memory_space<semaphore_mem>>
    %dma_wait3A_248 = tpu.memref_squeeze %dma_wait3A_247 : memref<1x!tpu.dma_semaphore, #tpu.memory_space<semaphore_mem>> -> memref<!tpu.dma_semaphore, #tpu.memory_space<semaphore_mem>>
    %dma_wait3A_249 = arith.constant 0 : i32
    %dma_wait3A_250 = arith.constant 0 : i32
    %dma_wait3A_251 = tpu.memref_slice %arg6[%dma_wait3A_249, %dma_wait3A_250] : memref<100000x128xf32, #tpu.memory_space<hbm>> -> memref<160x128xf32, #tpu.memory_space<hbm>>
    %dma_wait3A_252 = arith.constant 0 : i32
    %dma_wait3A_253 = arith.constant 0 : i32
    %dma_wait3A_254 = tpu.memref_slice %arg10[%dma_wait3A_238, %dma_wait3A_252, %dma_wait3A_253] : memref<5x160x128xf32, #tpu.memory_space<vmem>> -> memref<1x160x128xf32, #tpu.memory_space<vmem>>
    %dma_wait3A_255 = tpu.memref_squeeze %dma_wait3A_254 : memref<1x160x128xf32, #tpu.memory_space<vmem>> -> memref<160x128xf32, #tpu.memory_space<vmem>>
    tpu.wait_dma2 semaphore(%dma_wait3A_248 : memref<!tpu.dma_semaphore, #tpu.memory_space<semaphore_mem>>) src(%dma_wait3A_255 : memref<160x128xf32, #tpu.memory_space<vmem>>) dst(%dma_wait3A_251 : memref<160x128xf32, #tpu.memory_space<hbm>>)
    %dma_wait3A_256 = arith.constant 2 : i32
    %dma_wait3A_257 = arith.constant 2 : i32
    %dma_wait3A_258 = arith.constant 0 : i32
    %dma_wait3A_259 = arith.constant 0 : i32
    %dma_wait3A_260 = tpu.memref_slice %arg10[%dma_wait3A_256, %dma_wait3A_258, %dma_wait3A_259] : memref<5x160x128xf32, #tpu.memory_space<vmem>> -> memref<1x160x128xf32, #tpu.memory_space<vmem>>
    %dma_wait3A_261 = tpu.memref_squeeze %dma_wait3A_260 : memref<1x160x128xf32, #tpu.memory_space<vmem>> -> memref<160x128xf32, #tpu.memory_space<vmem>>
    %dma_wait3A_262 = arith.constant 0 : i32
    %dma_wait3A_263 = arith.constant 0 : i32
    %dma_wait3A_264 = tpu.memref_slice %arg6[%dma_wait3A_262, %dma_wait3A_263] : memref<100000x128xf32, #tpu.memory_space<hbm>> -> memref<160x128xf32, #tpu.memory_space<hbm>>
    %dma_wait3A_265 = tpu.memref_slice %arg15[%dma_wait3A_257] : memref<5x!tpu.dma_semaphore, #tpu.memory_space<semaphore_mem>> -> memref<1x!tpu.dma_semaphore, #tpu.memory_space<semaphore_mem>>
    %dma_wait3A_266 = tpu.memref_squeeze %dma_wait3A_265 : memref<1x!tpu.dma_semaphore, #tpu.memory_space<semaphore_mem>> -> memref<!tpu.dma_semaphore, #tpu.memory_space<semaphore_mem>>
    %dma_wait3A_267 = arith.constant 0 : i32
    %dma_wait3A_268 = arith.constant 0 : i32
    %dma_wait3A_269 = tpu.memref_slice %arg6[%dma_wait3A_267, %dma_wait3A_268] : memref<100000x128xf32, #tpu.memory_space<hbm>> -> memref<160x128xf32, #tpu.memory_space<hbm>>
    %dma_wait3A_270 = arith.constant 0 : i32
    %dma_wait3A_271 = arith.constant 0 : i32
    %dma_wait3A_272 = tpu.memref_slice %arg10[%dma_wait3A_256, %dma_wait3A_270, %dma_wait3A_271] : memref<5x160x128xf32, #tpu.memory_space<vmem>> -> memref<1x160x128xf32, #tpu.memory_space<vmem>>
    %dma_wait3A_273 = tpu.memref_squeeze %dma_wait3A_272 : memref<1x160x128xf32, #tpu.memory_space<vmem>> -> memref<160x128xf32, #tpu.memory_space<vmem>>
    tpu.wait_dma2 semaphore(%dma_wait3A_266 : memref<!tpu.dma_semaphore, #tpu.memory_space<semaphore_mem>>) src(%dma_wait3A_273 : memref<160x128xf32, #tpu.memory_space<vmem>>) dst(%dma_wait3A_269 : memref<160x128xf32, #tpu.memory_space<hbm>>)
    %dma_wait3A_274 = arith.constant 3 : i32
    %dma_wait3A_275 = arith.constant 3 : i32
    %dma_wait3A_276 = arith.constant 0 : i32
    %dma_wait3A_277 = arith.constant 0 : i32
    %dma_wait3A_278 = tpu.memref_slice %arg10[%dma_wait3A_274, %dma_wait3A_276, %dma_wait3A_277] : memref<5x160x128xf32, #tpu.memory_space<vmem>> -> memref<1x160x128xf32, #tpu.memory_space<vmem>>
    %dma_wait3A_279 = tpu.memref_squeeze %dma_wait3A_278 : memref<1x160x128xf32, #tpu.memory_space<vmem>> -> memref<160x128xf32, #tpu.memory_space<vmem>>
    %dma_wait3A_280 = arith.constant 0 : i32
    %dma_wait3A_281 = arith.constant 0 : i32
    %dma_wait3A_282 = tpu.memref_slice %arg6[%dma_wait3A_280, %dma_wait3A_281] : memref<100000x128xf32, #tpu.memory_space<hbm>> -> memref<160x128xf32, #tpu.memory_space<hbm>>
    %dma_wait3A_283 = tpu.memref_slice %arg15[%dma_wait3A_275] : memref<5x!tpu.dma_semaphore, #tpu.memory_space<semaphore_mem>> -> memref<1x!tpu.dma_semaphore, #tpu.memory_space<semaphore_mem>>
    %dma_wait3A_284 = tpu.memref_squeeze %dma_wait3A_283 : memref<1x!tpu.dma_semaphore, #tpu.memory_space<semaphore_mem>> -> memref<!tpu.dma_semaphore, #tpu.memory_space<semaphore_mem>>
    %dma_wait3A_285 = arith.constant 0 : i32
    %dma_wait3A_286 = arith.constant 0 : i32
    %dma_wait3A_287 = tpu.memref_slice %arg6[%dma_wait3A_285, %dma_wait3A_286] : memref<100000x128xf32, #tpu.memory_space<hbm>> -> memref<160x128xf32, #tpu.memory_space<hbm>>
    %dma_wait3A_288 = arith.constant 0 : i32
    %dma_wait3A_289 = arith.constant 0 : i32
    %dma_wait3A_290 = tpu.memref_slice %arg10[%dma_wait3A_274, %dma_wait3A_288, %dma_wait3A_289] : memref<5x160x128xf32, #tpu.memory_space<vmem>> -> memref<1x160x128xf32, #tpu.memory_space<vmem>>
    %dma_wait3A_291 = tpu.memref_squeeze %dma_wait3A_290 : memref<1x160x128xf32, #tpu.memory_space<vmem>> -> memref<160x128xf32, #tpu.memory_space<vmem>>
    tpu.wait_dma2 semaphore(%dma_wait3A_284 : memref<!tpu.dma_semaphore, #tpu.memory_space<semaphore_mem>>) src(%dma_wait3A_291 : memref<160x128xf32, #tpu.memory_space<vmem>>) dst(%dma_wait3A_287 : memref<160x128xf32, #tpu.memory_space<hbm>>)
    %dma_wait3A_292 = arith.constant 4 : i32
    %dma_wait3A_293 = arith.constant 4 : i32
    %dma_wait3A_294 = arith.constant 0 : i32
    %dma_wait3A_295 = arith.constant 0 : i32
    %dma_wait3A_296 = tpu.memref_slice %arg10[%dma_wait3A_292, %dma_wait3A_294, %dma_wait3A_295] : memref<5x160x128xf32, #tpu.memory_space<vmem>> -> memref<1x160x128xf32, #tpu.memory_space<vmem>>
    %dma_wait3A_297 = tpu.memref_squeeze %dma_wait3A_296 : memref<1x160x128xf32, #tpu.memory_space<vmem>> -> memref<160x128xf32, #tpu.memory_space<vmem>>
    %dma_wait3A_298 = arith.constant 0 : i32
    %dma_wait3A_299 = arith.constant 0 : i32
    %dma_wait3A_300 = tpu.memref_slice %arg6[%dma_wait3A_298, %dma_wait3A_299] : memref<100000x128xf32, #tpu.memory_space<hbm>> -> memref<160x128xf32, #tpu.memory_space<hbm>>
    %dma_wait3A_301 = tpu.memref_slice %arg15[%dma_wait3A_293] : memref<5x!tpu.dma_semaphore, #tpu.memory_space<semaphore_mem>> -> memref<1x!tpu.dma_semaphore, #tpu.memory_space<semaphore_mem>>
    %dma_wait3A_302 = tpu.memref_squeeze %dma_wait3A_301 : memref<1x!tpu.dma_semaphore, #tpu.memory_space<semaphore_mem>> -> memref<!tpu.dma_semaphore, #tpu.memory_space<semaphore_mem>>
    %dma_wait3A_303 = arith.constant 0 : i32
    %dma_wait3A_304 = arith.constant 0 : i32
    %dma_wait3A_305 = tpu.memref_slice %arg6[%dma_wait3A_303, %dma_wait3A_304] : memref<100000x128xf32, #tpu.memory_space<hbm>> -> memref<160x128xf32, #tpu.memory_space<hbm>>
    %dma_wait3A_306 = arith.constant 0 : i32
    %dma_wait3A_307 = arith.constant 0 : i32
    %dma_wait3A_308 = tpu.memref_slice %arg10[%dma_wait3A_292, %dma_wait3A_306, %dma_wait3A_307] : memref<5x160x128xf32, #tpu.memory_space<vmem>> -> memref<1x160x128xf32, #tpu.memory_space<vmem>>
    %dma_wait3A_309 = tpu.memref_squeeze %dma_wait3A_308 : memref<1x160x128xf32, #tpu.memory_space<vmem>> -> memref<160x128xf32, #tpu.memory_space<vmem>>
    tpu.wait_dma2 semaphore(%dma_wait3A_302 : memref<!tpu.dma_semaphore, #tpu.memory_space<semaphore_mem>>) src(%dma_wait3A_309 : memref<160x128xf32, #tpu.memory_space<vmem>>) dst(%dma_wait3A_305 : memref<160x128xf32, #tpu.memory_space<hbm>>)
    return
  }
}

</mosaic_0001>

<sc_bundles>
// kernel: kernel.3.cloned.1.call-start
scs
__scs_entry_jumppad:
0x0: {  	(pc) =	sbr.rel $0x88, $3  }
0x1: {  	(tag) =	ssettag $0x0;
	lr =	simm.s32 $0x1  }
0x2: {  	[smem:$0x3F9D] =	sst lr;
	_ =	strace $0xD0000000  }
0x3: {  	_ = 	snop  }
0x4: {  	_ = 	snop  }
0x5: {  	_ = 	snop  }
0x6: {  	_ = 	snop  }
0x7: {  	_ = 	snop  }
__scs_overlays_trampoline_lowered:
0x8: {  	[smem:$0x3FAC] =	sst s0  }
0x9: {  	[smem:$0x3FAD] =	sst s1  }
0xa: {  	[smem:$0x3FAE] =	sst s2  }
0xb: {  	[smem:$0x3FAF] =	sst s3  }
0xc: {  	[smem:$0x3FB0] =	sst s4  }
0xd: {  	[smem:$0x3FB1] =	sst s5  }
0xe: {  	[smem:$0x3FB2] =	sst s6  }
0xf: {  	[smem:$0x3FB3] =	sst s7  }
0x10: {  	[smem:$0x3FB4] =	sst s8  }
0x11: {  	[smem:$0x3FB5] =	sst s9;
	s0 =	simm.s32 @!p0 $0x0  }
0x12: {  	s1 =	sld [smem:$0x3F9B];
	s0 =	simm.s32 @p0 $0x1  }
0x13: {  	[smem:$0x3FB6] =	sst s0;
	s0 =	simm.s32 @!p1 $0x0  }
0x14: {  	s2 =	sld [smem:$0x3F9A];
	s0 =	simm.s32 @p1 $0x1  }
0x15: {  	[smem:$0x3FB7] =	sst s0;
	s0 =	simm.s32 @!p2 $0x0  }
0x16: {  	s3 =	sld [smem:$0x3FDB];
	s0 =	simm.s32 @p2 $0x1  }
0x17: {  	s4 =	simm.s32 $0x1BF5;
	[smem:$0x3FB9] =	sst s0  }
0x18: {  	s0 =	sld [smem:$0x3F9C];
	_ =	swait.ge [sflag:s4], $0x0  }
0x19: {  	s7 =	sld [smem:$0x3F9D]  }
0x1a: {  	s8 =	sadd.s32 $0xFFFFE003, lr  }
0x1b: {  	s9 =	sadd.s32 $0xFFFFFEF7, lr;
	s5 =	simm.s32 $0xFFFFFFFF;
	p2 =	slt.u32 s8, $0xFFFFF086  }
0x1c: {  	p1 =	slt.u32 s9, $0xF7A;
	s5 =	simm.s32 @!p2 $0x0  }
0x1d: {  	s5 =	simm.s32 @p1 $0x1;
	p0 =	seq.s32 s7, s2  }
0x1e: {  	s7 =	smul.u32 @!p0 $0xF7A, s2;
	p2 =	seq.s32 @!p0 s5, $0x0  }
0x1f: {  	s9 =	smul.u32 $0xF7A, s1;
	s8 =	simm.s32 @!p0 $0x1BF5;
	p2 =	por !p2, p0  }
0x20: {  	[sflag:s8] =	ssyncset.s32 @!p0 $0xFFFFF086;
	s6 =	sadd.s32 @!p0 s3, s7;
	s7 =	simm.s32 @!p0 $0x108  }
0x21: {  	s3 =	sadd.s32 s3, s9;
	s6 =	sadd.s32 @!p0 $0x88, s6;
	s7 =	simm.s32 @p2 $0x1082  }
0x22: {  	[simem:s7], [sflag:s8] =	dma.local @!p0 [hbm:s6], $0xF7A  }
0x23: {  	s9 =	sor.u32 $0xD0000000, s2;
	s6 =	simm.s32 $0x108;
	_ =	swait.ge @!p0 [sflag:s8], $0x0  }
0x24: {  	s3 =	sadd.s32 $0x88, s3;
	s6 =	simm.s32 @!p1 $0x1082;
	[sflag:s4] =	ssyncset.s32 $0xFFFFF086  }
0x25: {  	[simem:s6], [sflag:s4] =	dma.local [hbm:s3], $0xF7A  }
0x26: {  	[smem:$0x3F9D] =	sst s1;
	(tag) =	ssettag s2;
	_ =	strace s9  }
0x27: {  	s1 =	sld [smem:$0x3FAD]  }
0x28: {  	s2 =	sld [smem:$0x3FAE]  }
0x29: {  	s4 =	sld [smem:$0x3FB0]  }
0x2a: {  	p0 =	seq.s32 s5, $0x0;
	s5 =	sld [smem:$0x3FB1]  }
0x2b: {  	s6 =	sld [smem:$0x3FB2]  }
0x2c: {  	s7 =	sld [smem:$0x3FB3]  }
0x2d: {  	s3 =	simm.s32 $0x108;
	s8 =	sld [smem:$0x3FB4]  }
0x2e: {  	s3 =	simm.s32 @!p0 $0x1082;
	s9 =	sld [smem:$0x3FB5]  }
0x2f: {  	lr =	sadd.s32 s0, s3;
	s0 =	sld [smem:$0x3FAC]  }
0x30: {  	s3 =	sld [smem:$0x3FAF]  }
0x31: {  	[smem:$0x3FB8] =	sst s10  }
0x32: {  	s10 =	sld [smem:$0x3FB6];
	_ =	sdelay $0x3  }
0x33: {  	p0 =	seq.s32 s10, $0x1;
	s10 =	sld [smem:$0x3FB8];
	_ =	sdelay $0x3  }
0x34: {  	[smem:$0x3FB8] =	sst s10  }
0x35: {  	s10 =	sld [smem:$0x3FB7];
	_ =	sdelay $0x3  }
0x36: {  	p1 =	seq.s32 s10, $0x1;
	s10 =	sld [smem:$0x3FB8];
	_ =	sdelay $0x3  }
0x37: {  	[smem:$0x3FB8] =	sst s10  }
0x38: {  	s10 =	sld [smem:$0x3FB9]  }
0x39: {  	_ = 	snop;
	(pc) =	sbr.ind lr, $3  }
0x3a: {  	_ = 	snop  }
0x3b: {  	_ = 	snop  }
0x3c: {  	p2 =	seq.s32 s10, $0x1;
	s10 =	sld [smem:$0x3FB8]  }
0x3d: {  	_ =	shalt  }
0x3e: {  	_ =	shalt  }
0x3f: {  	_ =	shalt  }
0x40: {  	_ =	shalt  }
0x41: {  	_ =	shalt  }
0x42: {  	_ =	shalt  }
0x43: {  	_ =	shalt  }
0x44: {  	_ =	shalt  }
0x45: {  	_ =	shalt  }
0x46: {  	_ =	shalt  }
0x47: {  	_ =	shalt  }
0x48: {  	_ =	shalt  }
0x49: {  	_ =	shalt  }
0x4a: {  	_ =	shalt  }
0x4b: {  	_ =	shalt  }
0x4c: {  	_ =	shalt  }
0x4d: {  	_ =	shalt  }
0x4e: {  	_ =	shalt  }
0x4f: {  	_ =	shalt  }
0x50: {  	_ =	shalt  }
0x51: {  	_ =	shalt  }
0x52: {  	_ =	shalt  }
0x53: {  	_ =	shalt  }
0x54: {  	_ =	shalt  }
0x55: {  	_ =	shalt  }
0x56: {  	_ =	shalt  }
0x57: {  	_ =	shalt  }
0x58: {  	_ =	shalt  }
0x59: {  	_ =	shalt  }
0x5a: {  	_ =	shalt  }
0x5b: {  	_ =	shalt  }
0x5c: {  	_ =	shalt  }
0x5d: {  	_ =	shalt  }
0x5e: {  	_ =	shalt  }
0x5f: {  	_ =	shalt  }
0x60: {  	_ =	shalt  }
0x61: {  	_ =	shalt  }
0x62: {  	_ =	shalt  }
0x63: {  	_ =	shalt  }
0x64: {  	_ =	shalt  }
0x65: {  	_ =	shalt  }
0x66: {  	_ =	shalt  }
0x67: {  	_ =	shalt  }
0x68: {  	_ =	shalt  }
0x69: {  	_ =	shalt  }
0x6a: {  	_ =	shalt  }
0x6b: {  	_ =	shalt  }
0x6c: {  	_ =	shalt  }
0x6d: {  	_ =	shalt  }
0x6e: {  	_ =	shalt  }
0x6f: {  	_ =	shalt  }
0x70: {  	_ =	shalt  }
0x71: {  	_ =	shalt  }
0x72: {  	_ =	shalt  }
0x73: {  	_ =	shalt  }
0x74: {  	_ =	shalt  }
0x75: {  	_ =	shalt  }
0x76: {  	_ =	shalt  }
0x77: {  	_ =	shalt  }
0x78: {  	_ =	shalt  }
0x79: {  	_ =	shalt  }
0x7a: {  	_ =	shalt  }
0x7b: {  	_ =	shalt  }
0x7c: {  	_ =	shalt  }
0x7d: {  	_ =	shalt  }
0x7e: {  	_ =	shalt  }
0x7f: {  	_ =	shalt  }
0x80: {  	_ =	shalt  }
0x81: {  	_ =	shalt  }
0x82: {  	_ =	shalt  }
0x83: {  	_ =	shalt  }
0x84: {  	_ =	shalt  }
0x85: {  	_ =	shalt  }
0x86: {  	_ =	shalt  }
0x87: {  	_ =	shalt  }
.Lfunc_end0:
.L_simem_size_0:
called_computation_lowered:
.L_overlay_start_0:
0x88: {  	s2 =	sld [smem:$0x3FD9]  }
0x89: {  	s3 =	sld [smem:$0x3FFE];
	_ =	sdelay $0x1  }
0x8a: {  	s1 =	srdreg.scid  }
0x8b: {  	s0 =	sand.u32 $0x1, s1  }
0x8c: {  	s17 =	sshll.u32 s0, $0xA;
	s2 =	sadd.s32 s3, s2  }
0x8d: {  	s2 =	sadd.s32 s2, s17  }
0x8e: {  	[smem:$0x3FC4] =	sst s2  }
0x8f: {  	_ = 	snop  }
0x90: {  	s2 =	sld [smem:$0x3FC9]  }
0x91: {  	s18 =	sld [smem:$0x3FC8]  }
0x92: {  	s4 =	sld [smem:$0x3FD0];
	(tm) =	ssettm $0x1  }
0x93: {  	s5 =	sld [smem:$0x3FFB];
	_ =	sdelay $0x3  }
0x94: {  	_ =	strace s5  }
0x95: {  	s5 =	sld [smem:$0x3FFC];
	_ =	sdelay $0x3  }
0x96: {  	_ =	strace s5  }
0x97: {  	s5 =	sld [smem:$0x3FFD];
	_ =	sdelay $0x3  }
0x98: {  	_ =	strace s5  }
0x99: {  	_ =	strace $0x8FFFFFFF  }
0x9a: {  	s19 =	sld [smem:$0x3FDB];
	_ =	sdelay $0x1  }
0x9b: {  	s6 =	simm.s32 $_scs_section_size  }
0x9c: {  	s7 =	simm.s32 $_size__tile_overlayer_lowered;
	s8 =	simm.s32 $_tile_overlayer_lowered  }
0x9d: {  	s22 =	simm.s32 $0x1BFF;
	s21 =	sshll.u32 s8, $0x1;
	s5 =	sadd.s32 s6, s19  }
0x9e: {  	s9 =	simm.s32 $0x0;
	s20 =	sshll.u32 s7, $0x1;
	s7 =	sadd.s32 s21, s5  }
0x9f: {  	[timem:s9], [sflag:s22] =	dma.local [hbm:s7], s20  }
0xa0: {  	_ =	swait.ge [sflag:s22], s20  }
0xa1: {  	s6 =	ssub.s32 $0x0, s20;
	[sflag:s22] =	ssyncset.done $0x0  }
0xa2: {  	[sflag:s22] =	ssyncadd.s32 s6;
	_ =	sdelay $0x1  }
0xa3: {  	s23 =	simm.s32 $0x1B8B  }
0xa4: {  	_ =	swait.ge [sflag:s23], $0x1  }
0xa5: {  	[sflag:s23] =	ssyncset.done $0x0  }
0xa6: {  	s25 =	simm.s32 $0x1B8E;
	s24 =	sld [smem:$0x3FFE];
	[sflag:s23] =	ssyncadd.s32 $0xFFFFFFFF  }
0xa7: {  	s26 =	simm.s32 $execute0_lowered;
	[smem:$0x3FD2] =	sst s25  }
0xa8: {  	s7 =	sshll.u32 s26, $0x1;
	_ =	strace $0x80000046;
	[dreg:$0x1] =	wrdreg $0xFFFFFFFF  }
0xa9: {  	s28 =	simm.s32 $_size_execute0_lowered;
	s5 =	sadd.s32 s5, s7;
	[dreg:$0x0] =	wrdreg $0x0  }
0xaa: {  	s7 =	sshll.u32 s28, $0x1;
	[dreg:$0x2] =	wrdreg s5  }
0xab: {  	[dreg:$0x3] =	wrdreg s7  }
0xac: {  	[dreg:$0x4] =	wrdreg $0xC0  }
0xad: {  	_ =	task [dreg:s9], $0x5FFFF  }
0xae: {  	[dreg:$0x1] =	wrdreg $0xFFFFFFFF  }
0xaf: {  	[dreg:$0x0] =	wrdreg $0x60  }
0xb0: {  	[dreg:$0x2] =	wrdreg s2  }
0xb1: {  	[dreg:$0x3] =	wrdreg s18  }
0xb2: {  	[dreg:$0x4] =	wrdreg s24  }
0xb3: {  	[dreg:$0x5] =	wrdreg s4  }
0xb4: {  	[dreg:$0x6] =	wrdreg $0x19A800  }
0xb5: {  	[dreg:$0x7] =	wrdreg $0x9  }
0xb6: {  	_ =	task.clear_ibuf [dreg:s9], $0x8FFFF;
	_ =	strace $0x90000046  }
0xb7: {  	s29 =	simm.s32 $0x9;
	_ =	strace $0x80000048  }
0xb8: {  	_ =	swait.ge [sflag:s29], $0x1  }
0xb9: {  	[sflag:s29] =	ssyncadd.s32 $0xFFFFFFFF  }
0xba: {  	_ =	strace $0x90000048  }
0xbb: {  	_ =	sfence  }
0xbc: {  	s30 =	sld [smem:$0x0];
	_ =	sdelay $0x2  }
0xbd: {  	s31 =	sshll.u32 s1, $0xD;
	s1 =	sshrl.u32 s1, $0x2  }
0xbe: {  	s3 =	sand.u32 $0x4000, s31;
	s1 =	sadd.s32 s1, s30  }
0xbf: {  	s0 =	sor.u32 s3, s0;
	s1 =	sshll.u32 s1, $0x11  }
0xc0: {  	s0 =	sor.u32 s1, s0  }
0xc1: {  	s0 =	sadd.s32 $0x8F2B, s0  }
0xc2: {  	[sflag:s0] =	ssyncadd.remote.s32 $0x1  }
0xc3: {  	_ =	sfence.sel $0xFFFF  }
0xc4: {  	[dreg:$0x0] =	wrdreg $0xFFFFFFFF;
	(pc) =	sbr.abs _section_cstart, $3  }
0xc5: {  	[dreg:$0x1] =	wrdreg $0xFFFFFFFF  }
0xc6: {  	_ =	task.clear_ibuf [dreg:s9], $0x2FFFF;
	_ =	strace $0x9FFFFFFF  }
0xc7: {  	(tm) =	ssettm $0x7FFFFFFF  }
tec
execute0_lowered:
.L_overlay_start_1:
0x0: {  	(tag) =	ssettag $0x1  }
0x1: {  	s0 =	rddreg [dreg:$0x0]  }
0x2: {  	s2 =	rddreg [dreg:$0x1]  }
0x3: {  	s13 =	stileid.u32;
	s3 =	rddreg [dreg:$0x2]  }
0x4: {  	s1 =	srdreg.scid;
	s6 =	rddreg [dreg:$0x3];
	s30 =	simm.s32 $0xA80  }
0x5: {  	s31 =	simm.s32 $0xAA80;
	s4 =	sand.u32 $0x1, s1;
	s5 =	sshll.u32 s13, $0x1  }
0x6: {  	s29 =	simm.s32 $0xD;
	s1 =	simm.s32 $0x0;
	s5 =	sor.u32 s4, s5  }
0x7: {  	s7 =	sadd.s32 $0x400, s3;
	s9 =	sshll.u32 s13, $0xB;
	s8 =	smul.u32 $0xA00, s5  }
0x8: {  	[smem:$0x7FF] =	sst s1;
	s10 =	ssub.s32 $0x2, s4;
	s11 =	smul.u32 $0xA0, s5  }
0x9: {  	s3 =	sadd.s32 s9, s3;
	s25 =	sshrl.u32 s10, $0x1;
	s12 =	smul.u32 $0x14, s5  }
0xa: {  	s28 =	smul.u32 $0x14, s4;
	s3 =	sadd.s32 $0x3600, s3;
	s9 =	ssub.s32 s10, s25  }
0xb: {  	s8 =	sadd.s32 s0, s8;
	s26 =	sadd.s32 $0x1400, s11;
	s14 =	sadd.s32 s2, s12  }
0xc: {  	s15 =	sadd.s32 s7, s12;
	s17 =	sadd.s32 $0x2800, s11;
	[dreg:$0x6] =	wrdreg s8  }
0xd: {  	s21 =	sadd.s32 $0x3C00, s11;
	s11 =	sadd.s32 $0x5000, s11;
	[dreg:$0x7] =	wrdreg s14  }
0xe: {  	[dreg:$0x8] =	wrdreg s15;
	s16 =	sshll.u32 s26, $0x4;
	s8 =	sshrl.u32 s26, $0x3  }
0xf: {  	s19 =	sshll.u32 s17, $0x4;
	s20 =	sshrl.u32 s17, $0x3;
	s23 =	sshrl.u32 s21, $0x3  }
0x10: {  	s25 =	sshrl.u32 s11, $0x3;
	s26 =	smul.u32 $0x28, s13;
	s10 =	sadd.s32 s0, s16  }
0x11: {  	s11 =	sshll.u32 s11, $0x4;
	s18 =	sadd.s32 s2, s8;
	[dreg:$0x9] =	wrdreg s10  }
0x12: {  	s17 =	smul.u32 $0xA00, s4;
	s8 =	sadd.s32 s7, s8;
	[dreg:$0xa] =	wrdreg s18  }
0x13: {  	s4 =	simm.s32 $0xE;
	s22 =	sadd.s32 s2, s20;
	[dreg:$0xb] =	wrdreg s8  }
0x14: {  	s24 =	sadd.s32 s2, s23;
	s14 =	sadd.s32 s2, s25;
	[dreg:$0xd] =	wrdreg s22  }
0x15: {  	s16 =	sadd.s32 s0, s11;
	s11 =	simm.s32 $0x8;
	[dreg:$0xf] =	wrdreg s24  }
0x16: {  	s8 =	sadd.s32 s0, s19;
	s10 =	sshll.u32 s21, $0x4;
	[dreg:$0x11] =	wrdreg s14  }
0x17: {  	s2 =	sadd.s32 s26, s2;
	s12 =	sadd.s32 s26, s7;
	[dreg:$0x16] =	wrdreg s16  }
0x18: {  	s14 =	smul.u32 $0x1400, s13;
	s18 =	ssub.s32 $0x290, s5;
	[dreg:$0xc] =	wrdreg s8  }
0x19: {  	s19 =	sshll.u32 s13, $0xE;
	s26 =	smax.u32 s9, $0x1;
	[dreg:$0x13] =	wrdreg s2  }
0x1a: {  	s5 =	simm.s32 $0x6;
	s9 =	simm.s32 $0x2;
	[dreg:$0x14] =	wrdreg s12  }
0x1b: {  	s8 =	sadd.s32 s7, s20;
	s15 =	sadd.s32 s0, s10;
	s20 =	rddreg [dreg:$0x4]  }
0x1c: {  	s12 =	simm.s32 $0x3;
	s10 =	simm.s32 $0x0;
	[dreg:$0xe] =	wrdreg s8  }
0x1d: {  	s8 =	sadd.s32 s7, s23;
	[dreg:$0x15] =	wrdreg s15;
	s6 =	sadd.s32 s14, s6  }
0x1e: {  	s0 =	sadd.s32 s14, s0;
	s23 =	sshrl.u32 s18, $0x5;
	s24 =	sadd.s32 s19, s20  }
0x1f: {  	s19 =	simm.s32 $0x5A80;
	s14 =	simm.s32 $0x9;
	s15 =	simm.s32 $0xA  }
0x20: {  	[dreg:$0x10] =	wrdreg s8;
	s8 =	sadd.s32 s7, s25;
	s25 =	sshll.u32 s13, $0x6  }
0x21: {  	s21 =	sadd.s32 s17, s6;
	[dreg:$0x12] =	wrdreg s8;
	s2 =	sor.u32 $0x1C15, s25  }
.Ltmp0:
0x22: {  	_ =	strace $0x80000047;
	[dreg:$0x17] =	wrdreg s3;
	(pc) =	sbr.rel .LBB2_1-.Ltmp0, $4  }
0x23: {  	s22 =	sadd.s32 s17, s0;
	s0 =	sshrl.u32 s24, $0x3;
	[dreg:$0x18] =	wrdreg s2  }
0x24: {  	s6 =	simm.s32 $0x1;
	s17 =	simm.s32 $0x4;
	[dreg:$0x19] =	wrdreg s26  }
0x25: {  	s8 =	simm.s32 $0x7;
	s25 =	simm.s32 $0xB;
	[dreg:$0x1a] =	wrdreg s0  }
0x26: {  	s0 =	simm.s32 $0xA0;
	s2 =	simm.s32 $0xFA80;
	s26 =	simm.s32 $0xC  }
.LBB2_5:
0x27: {  	s3 =	simm.s32 $0x10  }
0x28: {  	_ =	swait.ge [sflag:s3], $0x5000  }
0x29: {  	[sflag:s3] =	ssyncset.done $0x0  }
0x2a: {  	s13 =	simm.s32 $0x11;
	[sflag:s3] =	ssyncadd.s32 $0xFFFFB000  }
0x2b: {  	_ =	swait.ge [sflag:s13], $0x5000  }
0x2c: {  	[sflag:s13] =	ssyncset.done $0x0  }
0x2d: {  	s16 =	simm.s32 $0x12;
	[sflag:s13] =	ssyncadd.s32 $0xFFFFB000  }
0x2e: {  	_ =	swait.ge [sflag:s16], $0x5000  }
0x2f: {  	[sflag:s16] =	ssyncset.done $0x0  }
0x30: {  	s18 =	simm.s32 $0x13;
	[sflag:s16] =	ssyncadd.s32 $0xFFFFB000  }
0x31: {  	_ =	swait.ge [sflag:s18], $0x5000  }
0x32: {  	[sflag:s18] =	ssyncset.done $0x0  }
0x33: {  	s7 =	simm.s32 $0x14;
	[sflag:s18] =	ssyncadd.s32 $0xFFFFB000  }
0x34: {  	_ =	swait.ge [sflag:s7], $0x5000  }
0x35: {  	s10 =	rddreg [dreg:$0x1b]  }
0x36: {  	s24 =	rddreg [dreg:$0x19];
	s10 =	sadd.s32 $0x1, s10  }
0x37: {  	p0 =	sne.s32 s10, s24  }
.Ltmp1:
0x38: {  	_ = 	snop;
	(pc) =	sbr.rel @!p0 .LBB2_6-.Ltmp1, $3  }
0x39: {  	_ =	sdelay $0x1  }
0x3a: {  	[sflag:s7] =	ssyncset.done $0x0  }
0x3b: {  	[sflag:s7] =	ssyncadd.s32 $0xFFFFB000  }
.LBB2_1:
0x3c: {  	[dreg:$0x1b] =	wrdreg s10  }
0x3d: {  	s3 =	rddreg [dreg:$0x6]  }
0x3e: {  	s16 =	rddreg [dreg:$0x7]  }
0x3f: {  	s18 =	rddreg [dreg:$0x8]  }
0x40: {  	[tilespmem:s30], [sflag:$0x1] =	stream.linear.gather [hbm4b:s3+s1], $0x5000, $0x38;
	[tilespmem:$0x1DA80] =	vst v63  }
0x41: {  	s24 =	rddreg [dreg:$0x9]  }
0x42: {  	[tilespmem:s1], [sflag:$0x6] =	stream.linear.gather [hbm4b:s16+s1], $0xA0, $0x38;
	[tilespmem:$0x1DA80] =	vst v63  }
0x43: {  	s7 =	simm.s32 $0x380;
	s10 =	rddreg [dreg:$0xb]  }
0x44: {  	[tilespmem:s7], [sflag:$0x6] =	stream.linear.gather [hbm4b:s18+s1], $0xA0, $0x38;
	[tilespmem:$0x1DA80] =	vst v63  }
0x45: {  	s16 =	rddreg [dreg:$0xc]  }
0x46: {  	[tilespmem:s19], [sflag:$0x2] =	stream.linear.gather [hbm4b:s24+s1], $0x5000, $0x38;
	[tilespmem:$0x1DA80] =	vst v63  }
0x47: {  	s7 =	rddreg [dreg:$0xa]  }
0x48: {  	[tilespmem:s0], [sflag:$0x7] =	stream.linear.gather [hbm4b:s7+s1], $0xA0, $0x38;
	[tilespmem:$0x1DA80] =	vst v63  }
0x49: {  	s13 =	simm.s32 $0x420;
	s18 =	rddreg [dreg:$0xd]  }
0x4a: {  	[tilespmem:s13], [sflag:$0x7] =	stream.linear.gather [hbm4b:s10+s1], $0xA0, $0x38;
	[tilespmem:$0x1DA80] =	vst v63  }
0x4b: {  	s7 =	rddreg [dreg:$0x10]  }
0x4c: {  	[tilespmem:s31], [sflag:$0x3] =	stream.linear.gather [hbm4b:s16+s1], $0x5000, $0x38;
	[tilespmem:$0x1DA80] =	vst v63  }
0x4d: {  	s24 =	simm.s32 $0x140;
	s10 =	rddreg [dreg:$0xe]  }
0x4e: {  	[tilespmem:s24], [sflag:$0x8] =	stream.linear.gather [hbm4b:s18+s1], $0xA0, $0x38;
	[tilespmem:$0x1DA80] =	vst v63  }
0x4f: {  	s13 =	simm.s32 $0x4C0;
	s16 =	rddreg [dreg:$0x15]  }
0x50: {  	[tilespmem:s13], [sflag:$0x8] =	stream.linear.gather [hbm4b:s10+s1], $0xA0, $0x38;
	[tilespmem:$0x1DA80] =	vst v63  }
0x51: {  	s18 =	rddreg [dreg:$0xf]  }
0x52: {  	[tilespmem:s2], [sflag:$0x4] =	stream.linear.gather [hbm4b:s16+s1], $0x5000, $0x38;
	[tilespmem:$0x1DA80] =	vst v63  }
0x53: {  	s24 =	simm.s32 $0x1E0;
	s13 =	rddreg [dreg:$0x16]  }
0x54: {  	[tilespmem:s24], [sflag:$0x9] =	stream.linear.gather [hbm4b:s18+s1], $0xA0, $0x38;
	[tilespmem:$0x1DA80] =	vst v63  }
0x55: {  	s10 =	simm.s32 $0x560;
	s18 =	rddreg [dreg:$0x11]  }
0x56: {  	[tilespmem:s10], [sflag:$0x9] =	stream.linear.gather [hbm4b:s7+s1], $0xA0, $0x38;
	[tilespmem:$0x1DA80] =	vst v63  }
0x57: {  	s16 =	simm.s32 $0x14A80;
	s7 =	rddreg [dreg:$0x12]  }
0x58: {  	[tilespmem:s16], [sflag:$0x5] =	stream.linear.gather [hbm4b:s13+s1], $0x5000, $0x38;
	[tilespmem:$0x1DA80] =	vst v63  }
0x59: {  	s13 =	rddreg [dreg:$0x17]  }
0x5a: {  	s24 =	simm.s32 $0x280;
	s16 =	rddreg [dreg:$0x18]  }
0x5b: {  	[tilespmem:s24], [sflag:$0xA] =	stream.linear.gather [hbm4b:s18+s1], $0xA0, $0x38;
	[tilespmem:$0x1DA80] =	vst v63  }
0x5c: {  	s10 =	simm.s32 $0x600;
	s18 =	rddreg [dreg:$0x1a];
	s24 =	simm.s32 $0x15  }
0x5d: {  	[tilespmem:s10], [sflag:$0xA] =	stream.linear.gather [hbm4b:s7+s1], $0xA0, $0x38;
	[tilespmem:$0x1DA80] =	vst v63  }
0x5e: {  	[spmem:s18], [sflag:s16] =	dma.local [hbm:s13], $0x800  }
0x5f: {  	_ =	swait.ge [sflag:s24], $0x800  }
.Ltmp2:
0x60: {  	[sflag:s24] =	ssyncset.done $0x0;
	(pc) =	sbr.rel .LBB2_2-.Ltmp2, $4  }
0x61: {  	[sflag:s24] =	ssyncadd.s32 $0xFFFFF800  }
0x62: {  	[bflag:$0x0] =	sbarrier.arrive $0xFFFF  }
0x63: {  	s3 =	rddreg [dreg:$0x14]  }
0x64: {  	s10 =	simm.s32 $0x0;
	s24 =	simm.s32 $0x9;
	s7 =	rddreg [dreg:$0x13]  }
.LBB2_4:
0x65: {  	_ =	swait.ge [sflag:s25], $0x5000  }
0x66: {  	[sflag:s25] =	ssyncset.done $0x0  }
0x67: {  	s13 =	sadd.s32 s10, s21;
	[sflag:s25] =	ssyncadd.s32 $0xFFFFB000  }
0x68: {  	[hbm4b:s13+s1] =	stream.linear.scatter [tilespmem:s30], [sflag:$0x10], $0x5000, $0x38;
	[tilespmem:$0x1DA80] =	vst v63  }
0x69: {  	_ =	swait.ge [sflag:s26], $0x5000  }
0x6a: {  	[sflag:s26] =	ssyncset.done $0x0  }
0x6b: {  	s18 =	sadd.s32 $0x14000, s13;
	[sflag:s26] =	ssyncadd.s32 $0xFFFFB000  }
0x6c: {  	[hbm4b:s18+s1] =	stream.linear.scatter [tilespmem:s19], [sflag:$0x11], $0x5000, $0x38;
	[tilespmem:$0x1DA80] =	vst v63  }
0x6d: {  	_ =	swait.ge [sflag:s29], $0x5000  }
0x6e: {  	[sflag:s29] =	ssyncset.done $0x0  }
0x6f: {  	s16 =	sadd.s32 $0x28000, s13;
	[sflag:s29] =	ssyncadd.s32 $0xFFFFB000  }
0x70: {  	[hbm4b:s16+s1] =	stream.linear.scatter [tilespmem:s31], [sflag:$0x12], $0x5000, $0x38;
	[tilespmem:$0x1DA80] =	vst v63  }
0x71: {  	_ =	swait.ge [sflag:s4], $0x5000  }
0x72: {  	[sflag:s4] =	ssyncset.done $0x0  }
0x73: {  	s13 =	sadd.s32 $0x3C000, s13;
	[sflag:s4] =	ssyncadd.s32 $0xFFFFB000  }
0x74: {  	[hbm4b:s13+s1] =	stream.linear.scatter [tilespmem:s2], [sflag:$0x13], $0x5000, $0x38;
	[tilespmem:$0x1DA80] =	vst v63  }
0x75: {  	s13 =	simm.s32 @!p0 $0xF  }
0x76: {  	_ =	swait.ge @!p0 [sflag:s13], $0x5000  }
0x77: {  	[sflag:s13] =	ssyncset.done @!p0 $0x0  }
0x78: {  	[sflag:s13] =	ssyncadd.s32 @!p0 $0xFFFFB000;
	s13 =	sadd.s32 @!p0 s10, s21  }
0x79: {  	s18 =	simm.s32 @!p0 $0x0;
	s16 =	simm.s32 @!p0 $0x14A80;
	s13 =	sadd.s32 @!p0 $0x50000, s13  }
0x7a: {  	[hbm4b:s13+s18] =	stream.linear.scatter @!p0 [tilespmem:s16], [sflag:$0x14], $0x5000, $0x38;
	[tilespmem:$0x1DA80] =	vst v63  }
0x7b: {  	s16 =	sadd.s32 $0xFFFFFFFC, s24  }
0x7c: {  	p0 =	sge.u32 s16, s23  }
0x7d: {  	s13 =	simm.s32 @!p0 $0x10  }
0x7e: {  	_ =	swait.ge @!p0 [sflag:s13], $0x5000  }
0x7f: {  	[sflag:s13] =	ssyncset.done @!p0 $0x0  }
0x80: {  	[sflag:s13] =	ssyncadd.s32 @!p0 $0xFFFFB000;
	s13 =	sadd.s32 @!p0 s10, s22  }
0x81: {  	s16 =	simm.s32 @!p0 $0x0;
	s18 =	simm.s32 @!p0 $0xA80;
	s13 =	sadd.s32 @!p0 $0x64000, s13  }
0x82: {  	[tilespmem:s18], [sflag:$0x1] =	stream.linear.gather @!p0 [hbm4b:s13+s16], $0x5000, $0x38;
	[tilespmem:$0x1DA80] =	vst v63  }
0x83: {  	s13 =	sadd.s32 @!p0 s7, s28  }
0x84: {  	s13 =	sadd.s32 @!p0 $0xC80, s13  }
0x85: {  	[tilespmem:s16], [sflag:$0x6] =	stream.linear.gather @!p0 [hbm4b:s13+s16], $0xA0, $0x38;
	[tilespmem:$0x1DA80] =	vst v63  }
0x86: {  	s13 =	sadd.s32 @!p0 s3, s28  }
0x87: {  	s18 =	simm.s32 @!p0 $0x380;
	s13 =	sadd.s32 @!p0 $0xC80, s13  }
0x88: {  	[tilespmem:s18], [sflag:$0x6] =	stream.linear.gather @!p0 [hbm4b:s13+s16], $0xA0, $0x38;
	[tilespmem:$0x1DA80] =	vst v63  }
0x89: {  	s18 =	sadd.s32 $0xFFFFFFFD, s24  }
0x8a: {  	p0 =	sge.u32 s18, s23  }
0x8b: {  	s13 =	simm.s32 @!p0 $0x11  }
0x8c: {  	_ =	swait.ge @!p0 [sflag:s13], $0x5000  }
0x8d: {  	[sflag:s13] =	ssyncset.done @!p0 $0x0  }
0x8e: {  	[sflag:s13] =	ssyncadd.s32 @!p0 $0xFFFFB000;
	s13 =	sadd.s32 @!p0 s10, s22  }
0x8f: {  	s16 =	simm.s32 @!p0 $0x0;
	s18 =	simm.s32 @!p0 $0x5A80;
	s13 =	sadd.s32 @!p0 $0x78000, s13  }
0x90: {  	[tilespmem:s18], [sflag:$0x2] =	stream.linear.gather @!p0 [hbm4b:s13+s16], $0x5000, $0x38;
	[tilespmem:$0x1DA80] =	vst v63  }
0x91: {  	s13 =	sadd.s32 @!p0 s7, s28  }
0x92: {  	s18 =	simm.s32 @!p0 $0xA0;
	s13 =	sadd.s32 @!p0 $0xF00, s13  }
0x93: {  	[tilespmem:s18], [sflag:$0x7] =	stream.linear.gather @!p0 [hbm4b:s13+s16], $0xA0, $0x38;
	[tilespmem:$0x1DA80] =	vst v63  }
0x94: {  	s13 =	sadd.s32 @!p0 s3, s28  }
0x95: {  	s18 =	simm.s32 @!p0 $0x420;
	s13 =	sadd.s32 @!p0 $0xF00, s13  }
0x96: {  	[tilespmem:s18], [sflag:$0x7] =	stream.linear.gather @!p0 [hbm4b:s13+s16], $0xA0, $0x38;
	[tilespmem:$0x1DA80] =	vst v63  }
0x97: {  	s16 =	sadd.s32 $0xFFFFFFFE, s24  }
0x98: {  	p0 =	sge.u32 s16, s23  }
0x99: {  	s13 =	simm.s32 @!p0 $0x12  }
0x9a: {  	_ =	swait.ge @!p0 [sflag:s13], $0x5000  }
0x9b: {  	[sflag:s13] =	ssyncset.done @!p0 $0x0  }
0x9c: {  	[sflag:s13] =	ssyncadd.s32 @!p0 $0xFFFFB000;
	s13 =	sadd.s32 @!p0 s10, s22  }
0x9d: {  	s16 =	simm.s32 @!p0 $0x0;
	s18 =	simm.s32 @!p0 $0xAA80;
	s13 =	sadd.s32 @!p0 $0x8C000, s13  }
0x9e: {  	[tilespmem:s18], [sflag:$0x3] =	stream.linear.gather @!p0 [hbm4b:s13+s16], $0x5000, $0x38;
	[tilespmem:$0x1DA80] =	vst v63  }
0x9f: {  	s13 =	sadd.s32 @!p0 s7, s28  }
0xa0: {  	s18 =	simm.s32 @!p0 $0x140;
	s13 =	sadd.s32 @!p0 $0x1180, s13  }
0xa1: {  	[tilespmem:s18], [sflag:$0x8] =	stream.linear.gather @!p0 [hbm4b:s13+s16], $0xA0, $0x38;
	[tilespmem:$0x1DA80] =	vst v63  }
0xa2: {  	s13 =	sadd.s32 @!p0 s3, s28  }
0xa3: {  	s18 =	simm.s32 @!p0 $0x4C0;
	s13 =	sadd.s32 @!p0 $0x1180, s13  }
0xa4: {  	[tilespmem:s18], [sflag:$0x8] =	stream.linear.gather @!p0 [hbm4b:s13+s16], $0xA0, $0x38;
	[tilespmem:$0x1DA80] =	vst v63  }
0xa5: {  	s18 =	sadd.s32 $0xFFFFFFFF, s24  }
0xa6: {  	p0 =	sge.u32 s18, s23  }
0xa7: {  	s13 =	simm.s32 @!p0 $0x13  }
0xa8: {  	_ =	swait.ge @!p0 [sflag:s13], $0x5000  }
0xa9: {  	[sflag:s13] =	ssyncset.done @!p0 $0x0  }
0xaa: {  	[sflag:s13] =	ssyncadd.s32 @!p0 $0xFFFFB000;
	s13 =	sadd.s32 @!p0 s10, s22  }
0xab: {  	s16 =	simm.s32 @!p0 $0x0;
	s18 =	simm.s32 @!p0 $0xFA80;
	s13 =	sadd.s32 @!p0 $0xA0000, s13  }
0xac: {  	[tilespmem:s18], [sflag:$0x4] =	stream.linear.gather @!p0 [hbm4b:s13+s16], $0x5000, $0x38;
	[tilespmem:$0x1DA80] =	vst v63  }
0xad: {  	s13 =	sadd.s32 @!p0 s7, s28  }
0xae: {  	s18 =	simm.s32 @!p0 $0x1E0;
	s13 =	sadd.s32 @!p0 $0x1400, s13  }
0xaf: {  	[tilespmem:s18], [sflag:$0x9] =	stream.linear.gather @!p0 [hbm4b:s13+s16], $0xA0, $0x38;
	[tilespmem:$0x1DA80] =	vst v63  }
0xb0: {  	s13 =	sadd.s32 @!p0 s3, s28  }
0xb1: {  	s18 =	simm.s32 @!p0 $0x560;
	s13 =	sadd.s32 @!p0 $0x1400, s13  }
0xb2: {  	[tilespmem:s18], [sflag:$0x9] =	stream.linear.gather @!p0 [hbm4b:s13+s16], $0xA0, $0x38;
	[tilespmem:$0x1DA80] =	vst v63  }
0xb3: {  	p0 =	sge.u32 s24, s23  }
0xb4: {  	s13 =	simm.s32 @!p0 $0x14  }
0xb5: {  	_ =	swait.ge @!p0 [sflag:s13], $0x5000  }
0xb6: {  	[sflag:s13] =	ssyncset.done @!p0 $0x0  }
0xb7: {  	[sflag:s13] =	ssyncadd.s32 @!p0 $0xFFFFB000;
	s13 =	sadd.s32 @!p0 s10, s22  }
0xb8: {  	s16 =	simm.s32 @!p0 $0x0;
	s18 =	simm.s32 @!p0 $0x14A80;
	s13 =	sadd.s32 @!p0 $0xB4000, s13  }
0xb9: {  	[tilespmem:s18], [sflag:$0x5] =	stream.linear.gather @!p0 [hbm4b:s13+s16], $0x5000, $0x38;
	[tilespmem:$0x1DA80] =	vst v63  }
0xba: {  	s13 =	sadd.s32 @!p0 s7, s28  }
0xbb: {  	s18 =	simm.s32 @!p0 $0x280;
	s13 =	sadd.s32 @!p0 $0x1680, s13  }
0xbc: {  	[tilespmem:s18], [sflag:$0xA] =	stream.linear.gather @!p0 [hbm4b:s13+s16], $0xA0, $0x38;
	[tilespmem:$0x1DA80] =	vst v63  }
0xbd: {  	s13 =	sadd.s32 @!p0 s3, s28  }
0xbe: {  	s10 =	sadd.s32 $0x64000, s10;
	s18 =	simm.s32 @!p0 $0x600;
	s13 =	sadd.s32 @!p0 $0x1680, s13  }
0xbf: {  	[tilespmem:s18], [sflag:$0xA] =	stream.linear.gather @!p0 [hbm4b:s13+s16], $0xA0, $0x38;
	[tilespmem:$0x1DA80] =	vst v63  }
0xc0: {  	p0 =	sne.s32 s10, $0x190000  }
.Ltmp3:
0xc1: {  	_ = 	snop;
	(pc) =	sbr.rel @!p0 .LBB2_5-.Ltmp3, $2  }
0xc2: {  	_ =	sdelay $0x2  }
0xc3: {  	s24 =	sadd.s32 $0x5, s24;
	s7 =	sadd.s32 $0xC80, s7;
	s3 =	sadd.s32 $0xC80, s3  }
.LBB2_2:
0xc4: {  	_ =	swait.ge [sflag:s5], $0xA0  }
0xc5: {  	[sflag:s5] =	ssyncset.done $0x0  }
0xc6: {  	[sflag:s5] =	ssyncadd.s32 $0xFFFFFF60  }
0xc7: {  	_ =	swait.ge [sflag:s5], $0xA0  }
0xc8: {  	[sflag:s5] =	ssyncset.done $0x0  }
0xc9: {  	[sflag:s5] =	ssyncadd.s32 $0xFFFFFF60  }
0xca: {  	v0 =	vld [tilespmem:$0x0]  }
0xcb: {  	v1 =	vld [tilespmem:$0x380]  }
0xcc: {  	v2 =	vld [tilespmem:$0x10]  }
0xcd: {  	v3 =	vld [tilespmem:$0x390]  }
0xce: {  	v4 =	vld [tilespmem:$0x20]  }
0xcf: {  	v5 =	vld [tilespmem:$0x3A0]  }
0xd0: {  	v6 =	vld [tilespmem:$0x30]  }
0xd1: {  	v7 =	vld [tilespmem:$0x3B0]  }
0xd2: {  	v8 =	vld [tilespmem:$0x40]  }
0xd3: {  	v9 =	vld [tilespmem:$0x3C0]  }
0xd4: {  	v10 =	vld [tilespmem:$0x50]  }
0xd5: {  	v11 =	vld [tilespmem:$0x3D0]  }
0xd6: {  	v12 =	vld [tilespmem:$0x60]  }
0xd7: {  	v13 =	vld [tilespmem:$0x3E0]  }
0xd8: {  	v14 =	vld [tilespmem:$0x70]  }
0xd9: {  	v15 =	vld [tilespmem:$0x3F0];
	vm0 =	veq.s32 v1, $0x0;
	v22 =	vadd.s32 $0x3E8, v0  }
0xda: {  	v24 =	vld [tilespmem:$0x80];
	vm13 =	veq.s32 v3, $0x0;
	v23 =	vadd.s32 $0x3E8, v2;
	v0 =	vsel vm0, v22, v0  }
0xdb: {  	v27 =	vld [tilespmem:$0x400];
	vm14 =	veq.s32 v5, $0x0;
	v26 =	vadd.s32 $0x3E8, v4;
	v25 =	vsel vm13, v23, v2;
	[tilespmem:$0x700] =	vst v0  }
0xdc: {  	v30 =	vld [tilespmem:$0x90];
	vm15 =	veq.s32 v7, $0x0;
	v29 =	vadd.s32 $0x3E8, v6;
	v28 =	vsel vm14, v26, v4;
	[tilespmem:$0x710] =	vst v25  }
0xdd: {  	v33 =	vld [tilespmem:$0x410];
	vm4 =	veq.s32 v9, $0x0;
	v32 =	vadd.s32 $0x3E8, v8;
	v31 =	vsel vm15, v29, v6;
	[tilespmem:$0x720] =	vst v28  }
0xde: {  	vm5 =	veq.s32 v11, $0x0;
	v35 =	vadd.s32 $0x3E8, v10;
	v34 =	vsel vm4, v32, v8;
	[tilespmem:$0x730] =	vst v31  }
0xdf: {  	vm6 =	veq.s32 v13, $0x0;
	v37 =	vadd.s32 $0x3E8, v12;
	v36 =	vsel vm5, v35, v10;
	[tilespmem:$0x740] =	vst v34  }
0xe0: {  	vm7 =	veq.s32 v15, $0x0;
	v39 =	vadd.s32 $0x3E8, v14;
	v38 =	vsel vm6, v37, v12;
	[tilespmem:$0x750] =	vst v36  }
0xe1: {  	vm8 =	veq.s32 v27, $0x0;
	v41 =	vadd.s32 $0x3E8, v24;
	v40 =	vsel vm7, v39, v14;
	[tilespmem:$0x760] =	vst v38  }
0xe2: {  	vm9 =	veq.s32 v33, $0x0;
	v43 =	vadd.s32 $0x3E8, v30;
	v42 =	vsel vm8, v41, v24;
	[tilespmem:$0x770] =	vst v40  }
0xe3: {  	v44 =	vsel vm9, v43, v30;
	[tilespmem:$0x780] =	vst v42  }
0xe4: {  	[tilespmem:$0x790] =	vst v44  }
0xe5: {  	_ =	swait.ge [sflag:s6], $0x5000  }
0xe6: {  	[sflag:s6] =	ssyncset.done $0x0  }
0xe7: {  	s13 =	simm.s32 $0x700;
	[sflag:s6] =	ssyncadd.s32 $0xFFFFB000  }
0xe8: {  	[tilespmem:s30], [sflag:$0xB] =	stream.indirect.gather.add.f32 [spmem:s20], $0x80, s13, s0, $0xb8;
	[tilespmem:$0x1DA80] =	vst v63  }
0xe9: {  	_ =	swait.ge [sflag:s8], $0xA0  }
0xea: {  	[sflag:s8] =	ssyncset.done $0x0  }
0xeb: {  	[sflag:s8] =	ssyncadd.s32 $0xFFFFFF60  }
0xec: {  	_ =	swait.ge [sflag:s8], $0xA0  }
0xed: {  	[sflag:s8] =	ssyncset.done $0x0  }
0xee: {  	[sflag:s8] =	ssyncadd.s32 $0xFFFFFF60  }
0xef: {  	v45 =	vld [tilespmem:$0xA0]  }
0xf0: {  	v46 =	vld [tilespmem:$0x420]  }
0xf1: {  	v47 =	vld [tilespmem:$0xB0]  }
0xf2: {  	v48 =	vld [tilespmem:$0x430]  }
0xf3: {  	v49 =	vld [tilespmem:$0xC0]  }
0xf4: {  	v50 =	vld [tilespmem:$0x440]  }
0xf5: {  	v51 =	vld [tilespmem:$0xD0]  }
0xf6: {  	v52 =	vld [tilespmem:$0x450]  }
0xf7: {  	v53 =	vld [tilespmem:$0xE0]  }
0xf8: {  	v54 =	vld [tilespmem:$0x460]  }
0xf9: {  	v55 =	vld [tilespmem:$0xF0]  }
0xfa: {  	v56 =	vld [tilespmem:$0x470]  }
0xfb: {  	v57 =	vld [tilespmem:$0x100]  }
0xfc: {  	v58 =	vld [tilespmem:$0x480]  }
0xfd: {  	v59 =	vld [tilespmem:$0x110]  }
0xfe: {  	v61 =	vld [tilespmem:$0x490];
	vm10 =	veq.s32 v46, $0x0;
	v60 =	vadd.s32 $0x3E8, v45  }
0xff: {  	v63 =	vld [tilespmem:$0x120];
	vm11 =	veq.s32 v48, $0x0;
	v62 =	vadd.s32 $0x3E8, v47;
	v0 =	vsel vm10, v60, v45  }
0x100: {  	v18 =	vld [tilespmem:$0x4A0];
	vm12 =	veq.s32 v50, $0x0;
	v17 =	vadd.s32 $0x3E8, v49;
	v16 =	vsel vm11, v62, v47;
	[tilespmem:$0x7A0] =	vst v0  }
0x101: {  	v21 =	vld [tilespmem:$0x130];
	vm13 =	veq.s32 v52, $0x0;
	v20 =	vadd.s32 $0x3E8, v51;
	v19 =	vsel vm12, v17, v49;
	[tilespmem:$0x7B0] =	vst v16  }
0x102: {  	v24 =	vld [tilespmem:$0x4B0];
	vm14 =	veq.s32 v54, $0x0;
	v23 =	vadd.s32 $0x3E8, v53;
	v22 =	vsel vm13, v20, v51;
	[tilespmem:$0x7C0] =	vst v19  }
0x103: {  	vm15 =	veq.s32 v56, $0x0;
	v26 =	vadd.s32 $0x3E8, v55;
	v25 =	vsel vm14, v23, v53;
	[tilespmem:$0x7D0] =	vst v22  }
0x104: {  	vm4 =	veq.s32 v58, $0x0;
	v28 =	vadd.s32 $0x3E8, v57;
	v27 =	vsel vm15, v26, v55;
	[tilespmem:$0x7E0] =	vst v25  }
0x105: {  	vm5 =	veq.s32 v61, $0x0;
	v30 =	vadd.s32 $0x3E8, v59;
	v29 =	vsel vm4, v28, v57;
	[tilespmem:$0x7F0] =	vst v27  }
0x106: {  	vm6 =	veq.s32 v18, $0x0;
	v32 =	vadd.s32 $0x3E8, v63;
	v31 =	vsel vm5, v30, v59;
	[tilespmem:$0x800] =	vst v29  }
0x107: {  	vm7 =	veq.s32 v24, $0x0;
	v34 =	vadd.s32 $0x3E8, v21;
	v33 =	vsel vm6, v32, v63;
	[tilespmem:$0x810] =	vst v31  }
0x108: {  	v35 =	vsel vm7, v34, v21;
	[tilespmem:$0x820] =	vst v33  }
0x109: {  	[tilespmem:$0x830] =	vst v35  }
0x10a: {  	_ =	swait.ge [sflag:s9], $0x5000  }
0x10b: {  	[sflag:s9] =	ssyncset.done $0x0  }
0x10c: {  	s16 =	simm.s32 $0x7A0;
	[sflag:s9] =	ssyncadd.s32 $0xFFFFB000  }
0x10d: {  	[tilespmem:s19], [sflag:$0xC] =	stream.indirect.gather.add.f32 [spmem:s20], $0x80, s16, s0, $0xb8;
	[tilespmem:$0x1DA80] =	vst v63  }
0x10e: {  	_ =	swait.ge [sflag:s11], $0xA0  }
0x10f: {  	[sflag:s11] =	ssyncset.done $0x0  }
0x110: {  	[sflag:s11] =	ssyncadd.s32 $0xFFFFFF60  }
0x111: {  	_ =	swait.ge [sflag:s11], $0xA0  }
0x112: {  	[sflag:s11] =	ssyncset.done $0x0  }
0x113: {  	[sflag:s11] =	ssyncadd.s32 $0xFFFFFF60  }
0x114: {  	v36 =	vld [tilespmem:$0x140]  }
0x115: {  	v37 =	vld [tilespmem:$0x4C0]  }
0x116: {  	v38 =	vld [tilespmem:$0x150]  }
0x117: {  	v39 =	vld [tilespmem:$0x4D0]  }
0x118: {  	v40 =	vld [tilespmem:$0x160]  }
0x119: {  	v41 =	vld [tilespmem:$0x4E0]  }
0x11a: {  	v42 =	vld [tilespmem:$0x170]  }
0x11b: {  	v43 =	vld [tilespmem:$0x4F0]  }
0x11c: {  	v44 =	vld [tilespmem:$0x180]  }
0x11d: {  	v45 =	vld [tilespmem:$0x500]  }
0x11e: {  	v46 =	vld [tilespmem:$0x190]  }
0x11f: {  	v47 =	vld [tilespmem:$0x510]  }
0x120: {  	v48 =	vld [tilespmem:$0x1A0]  }
0x121: {  	v49 =	vld [tilespmem:$0x520]  }
0x122: {  	v50 =	vld [tilespmem:$0x1B0]  }
0x123: {  	v52 =	vld [tilespmem:$0x530];
	vm8 =	veq.s32 v37, $0x0;
	v51 =	vadd.s32 $0x3E8, v36  }
0x124: {  	v54 =	vld [tilespmem:$0x1C0];
	vm9 =	veq.s32 v39, $0x0;
	v53 =	vadd.s32 $0x3E8, v38;
	v0 =	vsel vm8, v51, v36  }
0x125: {  	v57 =	vld [tilespmem:$0x540];
	vm10 =	veq.s32 v41, $0x0;
	v56 =	vadd.s32 $0x3E8, v40;
	v55 =	vsel vm9, v53, v38;
	[tilespmem:$0x840] =	vst v0  }
0x126: {  	v60 =	vld [tilespmem:$0x1D0];
	vm11 =	veq.s32 v43, $0x0;
	v59 =	vadd.s32 $0x3E8, v42;
	v58 =	vsel vm10, v56, v40;
	[tilespmem:$0x850] =	vst v55  }
0x127: {  	v63 =	vld [tilespmem:$0x550];
	vm12 =	veq.s32 v45, $0x0;
	v62 =	vadd.s32 $0x3E8, v44;
	v61 =	vsel vm11, v59, v42;
	[tilespmem:$0x860] =	vst v58  }
0x128: {  	vm13 =	veq.s32 v47, $0x0;
	v11 =	vadd.s32 $0x3E8, v46;
	v9 =	vsel vm12, v62, v44;
	[tilespmem:$0x870] =	vst v61  }
0x129: {  	vm14 =	veq.s32 v49, $0x0;
	v17 =	vadd.s32 $0x3E8, v48;
	v16 =	vsel vm13, v11, v46;
	[tilespmem:$0x880] =	vst v9  }
0x12a: {  	vm15 =	veq.s32 v52, $0x0;
	v19 =	vadd.s32 $0x3E8, v50;
	v18 =	vsel vm14, v17, v48;
	[tilespmem:$0x890] =	vst v16  }
0x12b: {  	vm4 =	veq.s32 v57, $0x0;
	v21 =	vadd.s32 $0x3E8, v54;
	v20 =	vsel vm15, v19, v50;
	[tilespmem:$0x8A0] =	vst v18  }
0x12c: {  	vm5 =	veq.s32 v63, $0x0;
	v23 =	vadd.s32 $0x3E8, v60;
	v22 =	vsel vm4, v21, v54;
	[tilespmem:$0x8B0] =	vst v20  }
0x12d: {  	v24 =	vsel vm5, v23, v60;
	[tilespmem:$0x8C0] =	vst v22  }
0x12e: {  	[tilespmem:$0x8D0] =	vst v24  }
0x12f: {  	_ =	swait.ge [sflag:s12], $0x5000  }
0x130: {  	[sflag:s12] =	ssyncset.done $0x0  }
0x131: {  	s18 =	simm.s32 $0x840;
	[sflag:s12] =	ssyncadd.s32 $0xFFFFB000  }
0x132: {  	[tilespmem:s31], [sflag:$0xD] =	stream.indirect.gather.add.f32 [spmem:s20], $0x80, s18, s0, $0xb8;
	[tilespmem:$0x1DA80] =	vst v63  }
0x133: {  	_ =	swait.ge [sflag:s14], $0xA0  }
0x134: {  	[sflag:s14] =	ssyncset.done $0x0  }
0x135: {  	[sflag:s14] =	ssyncadd.s32 $0xFFFFFF60  }
0x136: {  	_ =	swait.ge [sflag:s14], $0xA0  }
0x137: {  	[sflag:s14] =	ssyncset.done $0x0  }
0x138: {  	[sflag:s14] =	ssyncadd.s32 $0xFFFFFF60  }
0x139: {  	v25 =	vld [tilespmem:$0x1E0]  }
0x13a: {  	v26 =	vld [tilespmem:$0x560]  }
0x13b: {  	v27 =	vld [tilespmem:$0x1F0]  }
0x13c: {  	v28 =	vld [tilespmem:$0x570]  }
0x13d: {  	v29 =	vld [tilespmem:$0x200]  }
0x13e: {  	v30 =	vld [tilespmem:$0x580]  }
0x13f: {  	v31 =	vld [tilespmem:$0x210]  }
0x140: {  	v32 =	vld [tilespmem:$0x590]  }
0x141: {  	v33 =	vld [tilespmem:$0x220]  }
0x142: {  	v34 =	vld [tilespmem:$0x5A0]  }
0x143: {  	v35 =	vld [tilespmem:$0x230]  }
0x144: {  	v36 =	vld [tilespmem:$0x5B0]  }
0x145: {  	v37 =	vld [tilespmem:$0x240]  }
0x146: {  	v38 =	vld [tilespmem:$0x5C0]  }
0x147: {  	v39 =	vld [tilespmem:$0x250]  }
0x148: {  	v41 =	vld [tilespmem:$0x5D0];
	vm6 =	veq.s32 v26, $0x0;
	v40 =	vadd.s32 $0x3E8, v25  }
0x149: {  	v43 =	vld [tilespmem:$0x260];
	vm7 =	veq.s32 v28, $0x0;
	v42 =	vadd.s32 $0x3E8, v27;
	v0 =	vsel vm6, v40, v25  }
0x14a: {  	v46 =	vld [tilespmem:$0x5E0];
	vm8 =	veq.s32 v30, $0x0;
	v45 =	vadd.s32 $0x3E8, v29;
	v44 =	vsel vm7, v42, v27;
	[tilespmem:$0x8E0] =	vst v0  }
0x14b: {  	v49 =	vld [tilespmem:$0x270];
	vm9 =	veq.s32 v32, $0x0;
	v48 =	vadd.s32 $0x3E8, v31;
	v47 =	vsel vm8, v45, v29;
	[tilespmem:$0x8F0] =	vst v44  }
0x14c: {  	v52 =	vld [tilespmem:$0x5F0];
	vm10 =	veq.s32 v34, $0x0;
	v51 =	vadd.s32 $0x3E8, v33;
	v50 =	vsel vm9, v48, v31;
	[tilespmem:$0x900] =	vst v47  }
0x14d: {  	vm11 =	veq.s32 v36, $0x0;
	v54 =	vadd.s32 $0x3E8, v35;
	v53 =	vsel vm10, v51, v33;
	[tilespmem:$0x910] =	vst v50  }
0x14e: {  	vm12 =	veq.s32 v38, $0x0;
	v56 =	vadd.s32 $0x3E8, v37;
	v55 =	vsel vm11, v54, v35;
	[tilespmem:$0x920] =	vst v53  }
0x14f: {  	vm13 =	veq.s32 v41, $0x0;
	v58 =	vadd.s32 $0x3E8, v39;
	v57 =	vsel vm12, v56, v37;
	[tilespmem:$0x930] =	vst v55  }
0x150: {  	vm14 =	veq.s32 v46, $0x0;
	v60 =	vadd.s32 $0x3E8, v43;
	v59 =	vsel vm13, v58, v39;
	[tilespmem:$0x940] =	vst v57  }
0x151: {  	s18 =	sadd.s32 $0xFFFFFFFB, s24;
	vm15 =	veq.s32 v52, $0x0;
	v62 =	vadd.s32 $0x3E8, v49;
	v61 =	vsel vm14, v60, v43;
	[tilespmem:$0x950] =	vst v59  }
0x152: {  	p0 =	sge.u32 s18, s23;
	v63 =	vsel vm15, v62, v49;
	[tilespmem:$0x960] =	vst v61  }
.Ltmp4:
0x153: {  	[tilespmem:$0x970] =	vst v63;
	(pc) =	sbr.rel @p0 .LBB2_4-.Ltmp4, $4  }
0x154: {  	_ =	swait.ge [sflag:s17], $0x5000  }
0x155: {  	[sflag:s17] =	ssyncset.done $0x0  }
0x156: {  	s16 =	simm.s32 $0x8E0;
	[sflag:s17] =	ssyncadd.s32 $0xFFFFB000  }
0x157: {  	[tilespmem:s2], [sflag:$0xE] =	stream.indirect.gather.add.f32 [spmem:s20], $0x80, s16, s0, $0xb8;
	[tilespmem:$0x1DA80] =	vst v63  }
0x158: {  	_ =	swait.ge [sflag:s15], $0xA0  }
0x159: {  	[sflag:s15] =	ssyncset.done $0x0  }
0x15a: {  	[sflag:s15] =	ssyncadd.s32 $0xFFFFFF60  }
0x15b: {  	_ =	swait.ge [sflag:s15], $0xA0  }
0x15c: {  	[sflag:s15] =	ssyncset.done $0x0  }
0x15d: {  	[sflag:s15] =	ssyncadd.s32 $0xFFFFFF60  }
0x15e: {  	v0 =	vld [tilespmem:$0x280]  }
0x15f: {  	v1 =	vld [tilespmem:$0x600]  }
0x160: {  	v2 =	vld [tilespmem:$0x290]  }
0x161: {  	v3 =	vld [tilespmem:$0x610]  }
0x162: {  	v4 =	vld [tilespmem:$0x2A0]  }
0x163: {  	v5 =	vld [tilespmem:$0x620]  }
0x164: {  	v6 =	vld [tilespmem:$0x2B0]  }
0x165: {  	v7 =	vld [tilespmem:$0x630]  }
0x166: {  	v8 =	vld [tilespmem:$0x2C0]  }
0x167: {  	v9 =	vld [tilespmem:$0x640]  }
0x168: {  	v10 =	vld [tilespmem:$0x2D0]  }
0x169: {  	v11 =	vld [tilespmem:$0x650]  }
0x16a: {  	v12 =	vld [tilespmem:$0x2E0]  }
0x16b: {  	v13 =	vld [tilespmem:$0x660]  }
0x16c: {  	v14 =	vld [tilespmem:$0x2F0]  }
0x16d: {  	v15 =	vld [tilespmem:$0x670];
	vm0 =	veq.s32 v1, $0x0;
	v41 =	vadd.s32 $0x3E8, v0  }
0x16e: {  	v43 =	vld [tilespmem:$0x300];
	vm7 =	veq.s32 v3, $0x0;
	v42 =	vadd.s32 $0x3E8, v2;
	v0 =	vsel vm0, v41, v0  }
0x16f: {  	v46 =	vld [tilespmem:$0x680];
	vm8 =	veq.s32 v5, $0x0;
	v45 =	vadd.s32 $0x3E8, v4;
	v44 =	vsel vm7, v42, v2;
	[tilespmem:$0x980] =	vst v0  }
0x170: {  	v49 =	vld [tilespmem:$0x310];
	vm9 =	veq.s32 v7, $0x0;
	v48 =	vadd.s32 $0x3E8, v6;
	v47 =	vsel vm8, v45, v4;
	[tilespmem:$0x990] =	vst v44  }
0x171: {  	v52 =	vld [tilespmem:$0x690];
	vm10 =	veq.s32 v9, $0x0;
	v51 =	vadd.s32 $0x3E8, v8;
	v50 =	vsel vm9, v48, v6;
	[tilespmem:$0x9A0] =	vst v47  }
0x172: {  	vm11 =	veq.s32 v11, $0x0;
	v54 =	vadd.s32 $0x3E8, v10;
	v53 =	vsel vm10, v51, v8;
	[tilespmem:$0x9B0] =	vst v50  }
0x173: {  	vm12 =	veq.s32 v13, $0x0;
	v56 =	vadd.s32 $0x3E8, v12;
	v55 =	vsel vm11, v54, v10;
	[tilespmem:$0x9C0] =	vst v53  }
0x174: {  	vm13 =	veq.s32 v15, $0x0;
	v58 =	vadd.s32 $0x3E8, v14;
	v57 =	vsel vm12, v56, v12;
	[tilespmem:$0x9D0] =	vst v55  }
0x175: {  	vm14 =	veq.s32 v46, $0x0;
	v60 =	vadd.s32 $0x3E8, v43;
	v59 =	vsel vm13, v58, v14;
	[tilespmem:$0x9E0] =	vst v57  }
0x176: {  	vm15 =	veq.s32 v52, $0x0;
	v62 =	vadd.s32 $0x3E8, v49;
	v61 =	vsel vm14, v60, v43;
	[tilespmem:$0x9F0] =	vst v59  }
0x177: {  	v63 =	vsel vm15, v62, v49;
	[tilespmem:$0xA00] =	vst v61  }
.Ltmp5:
0x178: {  	s13 =	simm.s32 $0x5;
	[tilespmem:$0xA10] =	vst v63;
	(pc) =	sbr.rel .LBB2_4-.Ltmp5, $4  }
0x179: {  	_ =	swait.ge [sflag:s13], $0x5000  }
0x17a: {  	[sflag:s13] =	ssyncset.done $0x0  }
0x17b: {  	s18 =	simm.s32 $0x14A80;
	s16 =	simm.s32 $0x980;
	[sflag:s13] =	ssyncadd.s32 $0xFFFFB000  }
0x17c: {  	[tilespmem:s18], [sflag:$0xF] =	stream.indirect.gather.add.f32 [spmem:s20], $0x80, s16, s0, $0xb8;
	[tilespmem:$0x1DA80] =	vst v63  }
.LBB2_6:
0x17d: {  	_ =	sfence.sel $0x180000  }
0x17e: {  	[bflag:$0x0] =	sbarrier.arrive $0xFFFF  }
0x17f: {  	_ =	strace $0x90000047  }
0x180: {  	s0 =	stileid.u32;
	[bflag:$0x2] =	sbarrier.arrive $0xFFFF  }
0x181: {  	p0 =	sne.s32 s0, $0x0;
	s0 =	rddreg [dreg:$0x5]  }
0x182: {  	s0 =	sadd.s32 @!p0 $0x100000, s0  }
0x183: {  	[sflag:s0] =	ssyncadd.tile.s32 @!p0 $0x1;
	_ =	shalt  }
.Lfunc_end2:
_tile_overlayer_lowered:
.L_overlay_start_2:
0x184: {  	(tag) =	ssettag $0x2  }
0x185: {  	s0 =	rddreg [dreg:$0x0];
	s2 =	stileid.u32  }
0x186: {  	s1 =	rddreg [dreg:$0x1];
	p0 =	sne.s32 s2, $0x0  }
0x187: {  	s3 =	rddreg [dreg:$0x2];
	[bflag:$0x3] =	sbarrier.arrive $0xFFFF;
	s2 =	simm.s32 @!p0 $0x1C15  }
0x188: {  	[timem:s3], [sflag:s2] =	dma.local @!p0 [hbm:s0], s1  }
0x189: {  	s0 =	simm.s32 @!p0 $0x15  }
0x18a: {  	_ =	swait.ge @!p0 [sflag:s0], s1  }
0x18b: {  	s1 =	ssub.s32 @!p0 $0x0, s1;
	[sflag:s0] =	ssyncset.done @!p0 $0x0  }
0x18c: {  	[sflag:s0] =	ssyncadd.s32 @!p0 s1  }
0x18d: {  	[bflag:$0x3] =	sbarrier.arrive $0xFFFF  }
0x18e: {  	_ =	shalt  }

</sc_bundles>
